<compile_context>
chip_gen: v7x
topology: tpu7x:2x2x1
jax: 0.10.2.dev20260603
libtpu: 0.0.44.dev20260713+nightly
codegen_flags: <defaults>
</compile_context>

<pallas_src>
import functools

import jax
import jax.numpy as jnp
from jax import lax
from jax.experimental import pallas as pl
from jax.experimental.pallas import tpu as pltpu
from jax.experimental.pallas import tpu_sc as plsc

_ROWS = 128
_COLS = 32768
_TC_ROWS = 96
_SC_ROWS = _ROWS - _TC_ROWS
_BLOCK_ROWS = 16
_NITER_TC = 8

_L = 16
_NCHUNK = _COLS // _L
_G = 8
_NGROUP = _NCHUNK // _G
_CAND = 2048
_CAND_CHUNKS = _CAND // _L
_NITER_SC = 10
_NUM_CORES = 2
_NUM_SUBCORES = 16


def _sparsemax_block(x_ref, o_ref):
    x = x_ref[...]
    m = jnp.max(x, axis=1, keepdims=True)
    y = x - m
    t = jnp.full_like(m, -1.0)
    for _ in range(_NITER_TC):
        gt = y > t
        s = jnp.sum(jnp.where(gt, y, 0.0), axis=1, keepdims=True)
        n = jnp.sum(gt.astype(jnp.float32), axis=1, keepdims=True)
        t = (s - 1.0) / n
    o_ref[...] = jnp.maximum(y - t, 0.0)


def _splat_last(v):
    idx = jnp.full((_L,), _L - 1, jnp.int32)
    return lax.gather(
        v, idx[:, None],
        dimension_numbers=lax.GatherDimensionNumbers(
            offset_dims=(), collapsed_slice_dims=(0,), start_index_map=(0,)),
        slice_sizes=(1,),
        mode=lax.GatherScatterMode.PROMISE_IN_BOUNDS)


def _vsum(v):
    return _splat_last(plsc.cumsum(v))


def _row_compute(row_v, gmax_v, cand_v):
    def max_body(g, acc):
        gacc = row_v[pl.ds(g * _G * _L, _L)]
        for u in range(1, _G):
            gacc = jnp.maximum(gacc, row_v[pl.ds((g * _G + u) * _L, _L)])
        gmax_v[pl.ds(g * _L, _L)] = gacc
        return jnp.maximum(acc, gacc)

    acc = lax.fori_loop(0, _NGROUP, max_body,
                        jnp.full((_L,), -1e30, jnp.float32))
    m = _splat_last(plsc.cummax(acc))
    thr = m - 1.0

    def fill_body(i, _):
        cand_v[pl.ds(i * _L, _L)] = jnp.full((_L,), -2.0, jnp.float32)
        return 0

    lax.fori_loop(0, _CAND_CHUNKS, fill_body, 0)

    def comp_body(g, cnt):
        hit = jnp.any(gmax_v[pl.ds(g * _L, _L)] > thr)

        def do_group(c):
            for u in range(_G):
                y = row_v[pl.ds((g * _G + u) * _L, _L)] - m
                msk = y > -1.0
                plsc.store_compressed(cand_v.at[pl.ds(c, _L)], y, mask=msk)
                pc = plsc.all_reduce_population_count(msk)[0]
                c = jnp.minimum(c + pc, _CAND - _L)
            return c

        return lax.cond(hit, do_group, lambda c: c, cnt)

    cnt = lax.fori_loop(0, _NGROUP, comp_body, jnp.int32(0))
    nch = (cnt + _L - 1) // _L

    def newton_body(_, t):
        def sum_body(i, carry):
            sv, nv = carry
            c = cand_v[pl.ds(i * _L, _L)]
            gt = c > t
            return (sv + jnp.where(gt, c, 0.0),
                    nv + jnp.where(gt, 1.0, 0.0))

        zero = jnp.zeros((_L,), jnp.float32)
        sv, nv = lax.fori_loop(0, nch, sum_body, (zero, zero))
        return (_vsum(sv) - 1.0) / _vsum(nv)

    t = lax.fori_loop(0, _NITER_SC, newton_body,
                      jnp.full((_L,), -1.0, jnp.float32))
    tau = t + m

    def out_body(i, _):
        for u in range(_G):
            sl = pl.ds((i * _G + u) * _L, _L)
            row_v[sl] = jnp.maximum(row_v[sl] - tau, 0.0)
        return 0

    lax.fori_loop(0, _NCHUNK // _G, out_body, 0)


@functools.partial(
    pl.kernel,
    out_type=jax.ShapeDtypeStruct((_SC_ROWS, _COLS), jnp.float32),
    mesh=plsc.VectorSubcoreMesh(core_axis_name="c", subcore_axis_name="s",
                                num_cores=_NUM_CORES,
                                num_subcores=_NUM_SUBCORES),
    scratch_types=[
        pltpu.VMEM((_COLS,), jnp.float32),
        pltpu.VMEM((_NGROUP * _L,), jnp.float32),
        pltpu.VMEM((_CAND,), jnp.float32),
    ],
    compiler_params=pltpu.CompilerParams(needs_layout_passes=False),
)
def _sc_sparsemax(x_hbm, out_hbm, row_v, gmax_v, cand_v):
    wid = lax.axis_index("s") * _NUM_CORES + lax.axis_index("c")
    pltpu.sync_copy(x_hbm.at[_TC_ROWS + wid], row_v)
    _row_compute(row_v, gmax_v, cand_v)
    pltpu.sync_copy(row_v, out_hbm.at[wid])


def kernel(input):
    sc_out = _sc_sparsemax(input)
    tc_out = pl.pallas_call(
        _sparsemax_block,
        grid=(_TC_ROWS // _BLOCK_ROWS,),
        in_specs=[pl.BlockSpec((_BLOCK_ROWS, _COLS), lambda i: (i, 0))],
        out_specs=pl.BlockSpec((_BLOCK_ROWS, _COLS), lambda i: (i, 0)),
        out_shape=jax.ShapeDtypeStruct((_TC_ROWS, _COLS), jnp.float32),
    )(input)
    return jnp.concatenate([tc_out, sc_out], axis=0)

# --- scband reference (transcript-rebuilt; emitter-appended) ---
"""Pipeline reference for scband-sparsemax-47699906789765 (READ-ONLY COPY).

The authoritative reference and input builder live on the scoring server;
editing this copy changes nothing except your own understanding.
"""

import jax, jax.numpy as jnp
import numpy as np

def setup_inputs(seed: int = 0) -> dict:
    key = jax.random.key(seed)
    x = jax.random.normal(key, (128, 32768), dtype=jnp.float32)
    return {"input": x}

def reference(input) -> jnp.ndarray:
    dim = -1
    # transpose(0, dim)
    x = jnp.swapaxes(input, 0, dim)
    original_size = x.shape
    x = x.reshape(x.shape[0], -1)
    x = x.T  # shape (rows, number_of_logits)
    number_of_logits = x.shape[1]
    x = x - jnp.max(x, axis=1, keepdims=True)
    # descending sort
    zs = -jnp.sort(-x, axis=1)
    range_values = jnp.arange(1, number_of_logits + 1, dtype=x.dtype).reshape(1, -1)
    bound = 1.0 + range_values * zs
    cumsum_zs = jnp.cumsum(zs, axis=1)
    is_gt = (bound > cumsum_zs).astype(x.dtype)
    k = jnp.max(is_gt * range_values, axis=1, keepdims=True)
    zs_sparse = is_gt * zs
    taus = (jnp.sum(zs_sparse, axis=1, keepdims=True) - 1.0) / k
    out = jnp.maximum(jnp.zeros_like(x), x - taus)
    out = out.T
    out = out.reshape(original_size)
    return jnp.swapaxes(out, 0, dim)

if __name__ == "__main__":
    import jax
    _d = setup_inputs()
    print(jax.jit(kernel)(*tuple(_d.values())))

</pallas_src>

<mosaic_0001>
#map = affine_map<(d0, d1) -> (0, 0)>
module attributes {stable_mosaic.version = 14 : i64} {
  func.func @_sc_sparsemax(%arg0: i32, %arg1: i32, %arg2: memref<128x32768xf32, #tpu.memory_space<hbm>>, %arg3: memref<32x32768xf32, #tpu.memory_space<hbm>>, %arg4: memref<32768xf32, #tpu.memory_space<vmem>>, %arg5: memref<4096xf32, #tpu.memory_space<vmem>>, %arg6: memref<2048xf32, #tpu.memory_space<vmem>>) attributes {dimension_semantics = [#tpu.dimension_semantics<core_parallel>, #tpu.dimension_semantics<subcore_parallel>], iteration_bounds = array<i64: 2, 16>, scalar_prefetch = 0 : i64, scratch_operands = 3 : i64, tpu.core_type = #tpu.core_type<sc_vector_subcore>, window_params = [{transform_indices = #map}, {transform_indices = #map}]} {
    %mul3A = arith.constant 2 : i32
    %mul3A_0 = arith.muli %arg1, %mul3A : i32
    %add3A = arith.addi %mul3A_0, %arg0 : i32
    %add3A_1 = arith.constant 96 : i32
    %add3A_2 = arith.addi %add3A_1, %add3A : i32
    "tpu.region"() ({
      %run_scoped3A = tpu.sem_alloc : memref<!tpu.dma_semaphore, #tpu.memory_space<semaphore_mem>>
      %dma_start3A = arith.constant 0 : i32
      %dma_start3A_68 = tpu.memref_slice %arg2[%add3A_2, %dma_start3A] : memref<128x32768xf32, #tpu.memory_space<hbm>> -> memref<1x32768xf32, #tpu.memory_space<hbm>>
      %dma_start3A_69 = tpu.memref_squeeze %dma_start3A_68 : memref<1x32768xf32, #tpu.memory_space<hbm>> -> memref<32768xf32, #tpu.memory_space<hbm>>
      %dma_start3A_70 = arith.constant 0 : i32
      %dma_start3A_71 = tpu.memref_slice %arg2[%add3A_2, %dma_start3A_70] : memref<128x32768xf32, #tpu.memory_space<hbm>> -> memref<1x32768xf32, #tpu.memory_space<hbm>>
      %dma_start3A_72 = tpu.memref_squeeze %dma_start3A_71 : memref<1x32768xf32, #tpu.memory_space<hbm>> -> memref<32768xf32, #tpu.memory_space<hbm>>
      tpu.enqueue_dma source(%dma_start3A_72 : memref<32768xf32, #tpu.memory_space<hbm>>) target(%arg4 : memref<32768xf32, #tpu.memory_space<vmem>>) target_semaphore(%run_scoped3A : memref<!tpu.dma_semaphore, #tpu.memory_space<semaphore_mem>>)
      %dma_wait3A = arith.constant 0 : i32
      %dma_wait3A_73 = tpu.memref_slice %arg2[%add3A_2, %dma_wait3A] : memref<128x32768xf32, #tpu.memory_space<hbm>> -> memref<1x32768xf32, #tpu.memory_space<hbm>>
      %dma_wait3A_74 = tpu.memref_squeeze %dma_wait3A_73 : memref<1x32768xf32, #tpu.memory_space<hbm>> -> memref<32768xf32, #tpu.memory_space<hbm>>
      %dma_wait3A_75 = arith.constant 0 : i32
      %dma_wait3A_76 = tpu.memref_slice %arg2[%add3A_2, %dma_wait3A_75] : memref<128x32768xf32, #tpu.memory_space<hbm>> -> memref<1x32768xf32, #tpu.memory_space<hbm>>
      %dma_wait3A_77 = tpu.memref_squeeze %dma_wait3A_76 : memref<1x32768xf32, #tpu.memory_space<hbm>> -> memref<32768xf32, #tpu.memory_space<hbm>>
      tpu.wait_dma2 semaphore(%run_scoped3A : memref<!tpu.dma_semaphore, #tpu.memory_space<semaphore_mem>>) src(%dma_wait3A_77 : memref<32768xf32, #tpu.memory_space<hbm>>) dst(%arg4 : memref<32768xf32, #tpu.memory_space<vmem>>)
      tpu.yield
    }) : () -> ()
    %broadcast_in_dim3A = arith.constant -1.000000e+30 : f32
    %broadcast_in_dim3A_3 = vector.broadcast %broadcast_in_dim3A : f32 to vector<16xf32>
    %scan3A = arith.constant 0 : i32
    %scan3A_4 = arith.constant 256 : i32
    %scan3A_5 = arith.addi %scan3A, %scan3A_4 : i32
    %scan3A_6 = arith.constant 1 : i32
    %scan3A_7 = scf.for %scan3A_68 = %scan3A to %scan3A_5 step %scan3A_6 iter_args(%scan3A_69 = %broadcast_in_dim3A_3) -> (vector<16xf32>)  : i32 {
      %mul3A_70 = arith.constant 8 : i32
      %mul3A_71 = arith.muli %scan3A_68, %mul3A_70 : i32
      %mul3A_72 = arith.constant 16 : i32
      %mul3A_73 = arith.muli %mul3A_71, %mul3A_72 : i32
      %get3A = arith.index_cast %mul3A_73 : i32 to index
      %get3A_74 = tpu.vector_load %arg4[%get3A] {strides = array<i32>} : memref<32768xf32, #tpu.memory_space<vmem>>, vector<16xf32>,
      %mul3A_75 = arith.constant 8 : i32
      %mul3A_76 = arith.muli %scan3A_68, %mul3A_75 : i32
      %add3A_77 = arith.constant 1 : i32
      %add3A_78 = arith.addi %mul3A_76, %add3A_77 : i32
      %mul3A_79 = arith.constant 16 : i32
      %mul3A_80 = arith.muli %add3A_78, %mul3A_79 : i32
      %get3A_81 = arith.index_cast %mul3A_80 : i32 to index
      %get3A_82 = tpu.vector_load %arg4[%get3A_81] {strides = array<i32>} : memref<32768xf32, #tpu.memory_space<vmem>>, vector<16xf32>,
      %max3A = arith.maximumf %get3A_74, %get3A_82 : vector<16xf32>
      %mul3A_83 = arith.constant 8 : i32
      %mul3A_84 = arith.muli %scan3A_68, %mul3A_83 : i32
      %add3A_85 = arith.constant 2 : i32
      %add3A_86 = arith.addi %mul3A_84, %add3A_85 : i32
      %mul3A_87 = arith.constant 16 : i32
      %mul3A_88 = arith.muli %add3A_86, %mul3A_87 : i32
      %get3A_89 = arith.index_cast %mul3A_88 : i32 to index
      %get3A_90 = tpu.vector_load %arg4[%get3A_89] {strides = array<i32>} : memref<32768xf32, #tpu.memory_space<vmem>>, vector<16xf32>,
      %max3A_91 = arith.maximumf %max3A, %get3A_90 : vector<16xf32>
      %mul3A_92 = arith.constant 8 : i32
      %mul3A_93 = arith.muli %scan3A_68, %mul3A_92 : i32
      %add3A_94 = arith.constant 3 : i32
      %add3A_95 = arith.addi %mul3A_93, %add3A_94 : i32
      %mul3A_96 = arith.constant 16 : i32
      %mul3A_97 = arith.muli %add3A_95, %mul3A_96 : i32
      %get3A_98 = arith.index_cast %mul3A_97 : i32 to index
      %get3A_99 = tpu.vector_load %arg4[%get3A_98] {strides = array<i32>} : memref<32768xf32, #tpu.memory_space<vmem>>, vector<16xf32>,
      %max3A_100 = arith.maximumf %max3A_91, %get3A_99 : vector<16xf32>
      %mul3A_101 = arith.constant 8 : i32
      %mul3A_102 = arith.muli %scan3A_68, %mul3A_101 : i32
      %add3A_103 = arith.constant 4 : i32
      %add3A_104 = arith.addi %mul3A_102, %add3A_103 : i32
      %mul3A_105 = arith.constant 16 : i32
      %mul3A_106 = arith.muli %add3A_104, %mul3A_105 : i32
      %get3A_107 = arith.index_cast %mul3A_106 : i32 to index
      %get3A_108 = tpu.vector_load %arg4[%get3A_107] {strides = array<i32>} : memref<32768xf32, #tpu.memory_space<vmem>>, vector<16xf32>,
      %max3A_109 = arith.maximumf %max3A_100, %get3A_108 : vector<16xf32>
      %mul3A_110 = arith.constant 8 : i32
      %mul3A_111 = arith.muli %scan3A_68, %mul3A_110 : i32
      %add3A_112 = arith.constant 5 : i32
      %add3A_113 = arith.addi %mul3A_111, %add3A_112 : i32
      %mul3A_114 = arith.constant 16 : i32
      %mul3A_115 = arith.muli %add3A_113, %mul3A_114 : i32
      %get3A_116 = arith.index_cast %mul3A_115 : i32 to index
      %get3A_117 = tpu.vector_load %arg4[%get3A_116] {strides = array<i32>} : memref<32768xf32, #tpu.memory_space<vmem>>, vector<16xf32>,
      %max3A_118 = arith.maximumf %max3A_109, %get3A_117 : vector<16xf32>
      %mul3A_119 = arith.constant 8 : i32
      %mul3A_120 = arith.muli %scan3A_68, %mul3A_119 : i32
      %add3A_121 = arith.constant 6 : i32
      %add3A_122 = arith.addi %mul3A_120, %add3A_121 : i32
      %mul3A_123 = arith.constant 16 : i32
      %mul3A_124 = arith.muli %add3A_122, %mul3A_123 : i32
      %get3A_125 = arith.index_cast %mul3A_124 : i32 to index
      %get3A_126 = tpu.vector_load %arg4[%get3A_125] {strides = array<i32>} : memref<32768xf32, #tpu.memory_space<vmem>>, vector<16xf32>,
      %max3A_127 = arith.maximumf %max3A_118, %get3A_126 : vector<16xf32>
      %mul3A_128 = arith.constant 8 : i32
      %mul3A_129 = arith.muli %scan3A_68, %mul3A_128 : i32
      %add3A_130 = arith.constant 7 : i32
      %add3A_131 = arith.addi %mul3A_129, %add3A_130 : i32
      %mul3A_132 = arith.constant 16 : i32
      %mul3A_133 = arith.muli %add3A_131, %mul3A_132 : i32
      %get3A_134 = arith.index_cast %mul3A_133 : i32 to index
      %get3A_135 = tpu.vector_load %arg4[%get3A_134] {strides = array<i32>} : memref<32768xf32, #tpu.memory_space<vmem>>, vector<16xf32>,
      %max3A_136 = arith.maximumf %max3A_127, %get3A_135 : vector<16xf32>
      %mul3A_137 = arith.constant 16 : i32
      %mul3A_138 = arith.muli %scan3A_68, %mul3A_137 : i32
      %swap3A = arith.index_cast %mul3A_138 : i32 to index
      %swap3A_139 = tpu.vector_load %arg5[%swap3A] {strides = array<i32>} : memref<4096xf32, #tpu.memory_space<vmem>>, vector<16xf32>,
      tpu.vector_store %arg5[%swap3A], %max3A_136 {strides = array<i32>} : memref<4096xf32, #tpu.memory_space<vmem>>, vector<16xf32>,
      %max3A_140 = arith.maximumf %scan3A_69, %max3A_136 : vector<16xf32>
      scf.yield %max3A_140 : vector<16xf32>
    }
    %scan3A_8 = arith.constant 256 : i32
    %broadcast_in_dim3A_9 = arith.constant true
    %broadcast_in_dim3A_10 = vector.broadcast %broadcast_in_dim3A_9 : i1 to vector<16xi1>
    %masked_cummax3A = tpu.scan <max>, %scan3A_7 masked %broadcast_in_dim3A_10 : vector<16xf32>, vector<16xi1> -> vector<16xf32>
    %broadcast_in_dim3A_11 = arith.constant 15 : i32
    %broadcast_in_dim3A_12 = vector.broadcast %broadcast_in_dim3A_11 : i32 to vector<16xi32>
    %broadcast_in_dim3A_13 = vector.shape_cast %broadcast_in_dim3A_12 : vector<16xi32> to vector<16x1xi32>
    %gather3A = vector.shape_cast %broadcast_in_dim3A_13 : vector<16x1xi32> to vector<16xi32>
    %gather3A_14 = tpu.dynamic_gather %masked_cummax3A[%gather3A] in [0] : vector<16xf32>, vector<16xi32> -> vector<16xf32>
    %sub3A = arith.constant 1.000000e+00 : f32
    %sub3A_15 = vector.broadcast %sub3A : f32 to vector<16xf32>
    %sub3A_16 = arith.subf %gather3A_14, %sub3A_15 : vector<16xf32>
    %scan3A_17 = arith.constant 0 : i32
    %scan3A_18 = arith.constant 0 : i32
    %scan3A_19 = arith.constant 128 : i32
    %scan3A_20 = arith.addi %scan3A_18, %scan3A_19 : i32
    %scan3A_21 = arith.constant 1 : i32
    %scan3A_22 = scf.for %scan3A_68 = %scan3A_18 to %scan3A_20 step %scan3A_21 iter_args(%scan3A_69 = %scan3A_17) -> (i32)  : i32 {
      %broadcast_in_dim3A_70 = arith.constant -2.000000e+00 : f32
      %broadcast_in_dim3A_71 = vector.broadcast %broadcast_in_dim3A_70 : f32 to vector<16xf32>
      %mul3A_72 = arith.constant 16 : i32
      %mul3A_73 = arith.muli %scan3A_68, %mul3A_72 : i32
      %swap3A = arith.index_cast %mul3A_73 : i32 to index
      %swap3A_74 = tpu.vector_load %arg6[%swap3A] {strides = array<i32>} : memref<2048xf32, #tpu.memory_space<vmem>>, vector<16xf32>,
      tpu.vector_store %arg6[%swap3A], %broadcast_in_dim3A_71 {strides = array<i32>} : memref<2048xf32, #tpu.memory_space<vmem>>, vector<16xf32>,
      %scan3A_75 = arith.constant 0 : i32
      scf.yield %scan3A_75 : i32
    }
    %scan3A_23 = arith.constant 128 : i32
    %scan3A_24 = arith.constant 0 : i32
    %scan3A_25 = arith.constant 0 : i32
    %scan3A_26 = arith.constant 256 : i32
    %scan3A_27 = arith.addi %scan3A_25, %scan3A_26 : i32
    %scan3A_28 = arith.constant 1 : i32
    %scan3A_29 = scf.for %scan3A_68 = %scan3A_25 to %scan3A_27 step %scan3A_28 iter_args(%scan3A_69 = %scan3A_24) -> (i32)  : i32 {
      %mul3A_70 = arith.constant 16 : i32
      %mul3A_71 = arith.muli %scan3A_68, %mul3A_70 : i32
      %get3A = arith.index_cast %mul3A_71 : i32 to index
      %get3A_72 = tpu.vector_load %arg5[%get3A] {strides = array<i32>} : memref<4096xf32, #tpu.memory_space<vmem>>, vector<16xf32>,
      %gt3A = arith.cmpf ogt, %get3A_72, %sub3A_16 : vector<16xf32>
      %reduce_or3A = arith.constant 1.000000e+00 : f32
      %reduce_or3A_73 = arith.constant 0.000000e+00 : f32
      %reduce_or3A_74 = vector.broadcast %reduce_or3A : f32 to vector<16xf32>
      %reduce_or3A_75 = vector.broadcast %reduce_or3A_73 : f32 to vector<16xf32>
      %reduce_or3A_76 = arith.select %gt3A, %reduce_or3A_74, %reduce_or3A_75 : vector<16xi1>, vector<16xf32>
      %reduce_or3A_77 = arith.constant true
      %reduce_or3A_78 = vector.broadcast %reduce_or3A_77 : i1 to vector<16xi1>
      %reduce_or3A_79 = tpu.scan <max>, %reduce_or3A_76 masked %reduce_or3A_78 : vector<16xf32>, vector<16xi1> -> vector<16xf32>
      %reduce_or3A_80 = vector.extract %reduce_or3A_79[15] : f32 from vector<16xf32>
      %reduce_or3A_81 = arith.constant 0.000000e+00 : f32
      %reduce_or3A_82 = arith.cmpf ogt, %reduce_or3A_80, %reduce_or3A_81 : f32
      %convert_element_type3A = arith.extui %reduce_or3A_82 : i1 to i32
      %cond3A = arith.constant 0 : i32
      %cond3A_83 = arith.cmpi ne, %convert_element_type3A, %cond3A : i32
      %cond3A_84 = scf.if %cond3A_83 -> (i32) {
        %mul3A_85 = arith.constant 8 : i32
        %mul3A_86 = arith.muli %scan3A_68, %mul3A_85 : i32
        %add3A_87 = arith.constant 0 : i32
        %add3A_88 = arith.addi %mul3A_86, %add3A_87 : i32
        %mul3A_89 = arith.constant 16 : i32
        %mul3A_90 = arith.muli %add3A_88, %mul3A_89 : i32
        %get3A_91 = arith.index_cast %mul3A_90 : i32 to index
        %get3A_92 = tpu.vector_load %arg4[%get3A_91] {strides = array<i32>} : memref<32768xf32, #tpu.memory_space<vmem>>, vector<16xf32>,
        %sub3A_93 = arith.subf %get3A_92, %gather3A_14 : vector<16xf32>
        %gt3A_94 = arith.constant -1.000000e+00 : f32
        %gt3A_95 = vector.broadcast %gt3A_94 : f32 to vector<16xf32>
        %gt3A_96 = arith.cmpf ogt, %sub3A_93, %gt3A_95 : vector<16xf32>
        %swap3A = arith.index_cast %scan3A_69 : i32 to index
        %swap3A_97 = tpu.vector_load %arg6[%swap3A] masked %gt3A_96 {strides = array<i32>} : memref<2048xf32, #tpu.memory_space<vmem>>, vector<16xf32>, vector<16xi1>
        tpu.vector_store %arg6[%swap3A], %sub3A_93 masked %gt3A_96 {strides = array<i32>} : memref<2048xf32, #tpu.memory_space<vmem>>, vector<16xf32>, vector<16xi1>
        %all_reduce_population_count3A = tpu.all_reduce %gt3A_96 {dim = 0 : i64, kind = #tpu.reduction_kind<sum>} : vector<16xi1> -> vector<16xi32>
        %slice3A = vector.extract_strided_slice %all_reduce_population_count3A {offsets = [0], sizes = [1], strides = [1]} : vector<16xi32> to vector<1xi32>
        %squeeze3A = vector.extract %slice3A[0] : i32 from vector<1xi32>
        %add3A_98 = arith.addi %scan3A_69, %squeeze3A : i32
        %min3A = arith.constant 2032 : i32
        %min3A_99 = arith.minsi %add3A_98, %min3A : i32
        %mul3A_100 = arith.constant 8 : i32
        %mul3A_101 = arith.muli %scan3A_68, %mul3A_100 : i32
        %add3A_102 = arith.constant 1 : i32
        %add3A_103 = arith.addi %mul3A_101, %add3A_102 : i32
        %mul3A_104 = arith.constant 16 : i32
        %mul3A_105 = arith.muli %add3A_103, %mul3A_104 : i32
        %get3A_106 = arith.index_cast %mul3A_105 : i32 to index
        %get3A_107 = tpu.vector_load %arg4[%get3A_106] {strides = array<i32>} : memref<32768xf32, #tpu.memory_space<vmem>>, vector<16xf32>,
        %sub3A_108 = arith.subf %get3A_107, %gather3A_14 : vector<16xf32>
        %gt3A_109 = arith.constant -1.000000e+00 : f32
        %gt3A_110 = vector.broadcast %gt3A_109 : f32 to vector<16xf32>
        %gt3A_111 = arith.cmpf ogt, %sub3A_108, %gt3A_110 : vector<16xf32>
        %swap3A_112 = arith.index_cast %min3A_99 : i32 to index
        %swap3A_113 = tpu.vector_load %arg6[%swap3A_112] masked %gt3A_111 {strides = array<i32>} : memref<2048xf32, #tpu.memory_space<vmem>>, vector<16xf32>, vector<16xi1>
        tpu.vector_store %arg6[%swap3A_112], %sub3A_108 masked %gt3A_111 {strides = array<i32>} : memref<2048xf32, #tpu.memory_space<vmem>>, vector<16xf32>, vector<16xi1>
        %all_reduce_population_count3A_114 = tpu.all_reduce %gt3A_111 {dim = 0 : i64, kind = #tpu.reduction_kind<sum>} : vector<16xi1> -> vector<16xi32>
        %slice3A_115 = vector.extract_strided_slice %all_reduce_population_count3A_114 {offsets = [0], sizes = [1], strides = [1]} : vector<16xi32> to vector<1xi32>
        %squeeze3A_116 = vector.extract %slice3A_115[0] : i32 from vector<1xi32>
        %add3A_117 = arith.addi %min3A_99, %squeeze3A_116 : i32
        %min3A_118 = arith.constant 2032 : i32
        %min3A_119 = arith.minsi %add3A_117, %min3A_118 : i32
        %mul3A_120 = arith.constant 8 : i32
        %mul3A_121 = arith.muli %scan3A_68, %mul3A_120 : i32
        %add3A_122 = arith.constant 2 : i32
        %add3A_123 = arith.addi %mul3A_121, %add3A_122 : i32
        %mul3A_124 = arith.constant 16 : i32
        %mul3A_125 = arith.muli %add3A_123, %mul3A_124 : i32
        %get3A_126 = arith.index_cast %mul3A_125 : i32 to index
        %get3A_127 = tpu.vector_load %arg4[%get3A_126] {strides = array<i32>} : memref<32768xf32, #tpu.memory_space<vmem>>, vector<16xf32>,
        %sub3A_128 = arith.subf %get3A_127, %gather3A_14 : vector<16xf32>
        %gt3A_129 = arith.constant -1.000000e+00 : f32
        %gt3A_130 = vector.broadcast %gt3A_129 : f32 to vector<16xf32>
        %gt3A_131 = arith.cmpf ogt, %sub3A_128, %gt3A_130 : vector<16xf32>
        %swap3A_132 = arith.index_cast %min3A_119 : i32 to index
        %swap3A_133 = tpu.vector_load %arg6[%swap3A_132] masked %gt3A_131 {strides = array<i32>} : memref<2048xf32, #tpu.memory_space<vmem>>, vector<16xf32>, vector<16xi1>
        tpu.vector_store %arg6[%swap3A_132], %sub3A_128 masked %gt3A_131 {strides = array<i32>} : memref<2048xf32, #tpu.memory_space<vmem>>, vector<16xf32>, vector<16xi1>
        %all_reduce_population_count3A_134 = tpu.all_reduce %gt3A_131 {dim = 0 : i64, kind = #tpu.reduction_kind<sum>} : vector<16xi1> -> vector<16xi32>
        %slice3A_135 = vector.extract_strided_slice %all_reduce_population_count3A_134 {offsets = [0], sizes = [1], strides = [1]} : vector<16xi32> to vector<1xi32>
        %squeeze3A_136 = vector.extract %slice3A_135[0] : i32 from vector<1xi32>
        %add3A_137 = arith.addi %min3A_119, %squeeze3A_136 : i32
        %min3A_138 = arith.constant 2032 : i32
        %min3A_139 = arith.minsi %add3A_137, %min3A_138 : i32
        %mul3A_140 = arith.constant 8 : i32
        %mul3A_141 = arith.muli %scan3A_68, %mul3A_140 : i32
        %add3A_142 = arith.constant 3 : i32
        %add3A_143 = arith.addi %mul3A_141, %add3A_142 : i32
        %mul3A_144 = arith.constant 16 : i32
        %mul3A_145 = arith.muli %add3A_143, %mul3A_144 : i32
        %get3A_146 = arith.index_cast %mul3A_145 : i32 to index
        %get3A_147 = tpu.vector_load %arg4[%get3A_146] {strides = array<i32>} : memref<32768xf32, #tpu.memory_space<vmem>>, vector<16xf32>,
        %sub3A_148 = arith.subf %get3A_147, %gather3A_14 : vector<16xf32>
        %gt3A_149 = arith.constant -1.000000e+00 : f32
        %gt3A_150 = vector.broadcast %gt3A_149 : f32 to vector<16xf32>
        %gt3A_151 = arith.cmpf ogt, %sub3A_148, %gt3A_150 : vector<16xf32>
        %swap3A_152 = arith.index_cast %min3A_139 : i32 to index
        %swap3A_153 = tpu.vector_load %arg6[%swap3A_152] masked %gt3A_151 {strides = array<i32>} : memref<2048xf32, #tpu.memory_space<vmem>>, vector<16xf32>, vector<16xi1>
        tpu.vector_store %arg6[%swap3A_152], %sub3A_148 masked %gt3A_151 {strides = array<i32>} : memref<2048xf32, #tpu.memory_space<vmem>>, vector<16xf32>, vector<16xi1>
        %all_reduce_population_count3A_154 = tpu.all_reduce %gt3A_151 {dim = 0 : i64, kind = #tpu.reduction_kind<sum>} : vector<16xi1> -> vector<16xi32>
        %slice3A_155 = vector.extract_strided_slice %all_reduce_population_count3A_154 {offsets = [0], sizes = [1], strides = [1]} : vector<16xi32> to vector<1xi32>
        %squeeze3A_156 = vector.extract %slice3A_155[0] : i32 from vector<1xi32>
        %add3A_157 = arith.addi %min3A_139, %squeeze3A_156 : i32
        %min3A_158 = arith.constant 2032 : i32
        %min3A_159 = arith.minsi %add3A_157, %min3A_158 : i32
        %mul3A_160 = arith.constant 8 : i32
        %mul3A_161 = arith.muli %scan3A_68, %mul3A_160 : i32
        %add3A_162 = arith.constant 4 : i32
        %add3A_163 = arith.addi %mul3A_161, %add3A_162 : i32
        %mul3A_164 = arith.constant 16 : i32
        %mul3A_165 = arith.muli %add3A_163, %mul3A_164 : i32
        %get3A_166 = arith.index_cast %mul3A_165 : i32 to index
        %get3A_167 = tpu.vector_load %arg4[%get3A_166] {strides = array<i32>} : memref<32768xf32, #tpu.memory_space<vmem>>, vector<16xf32>,
        %sub3A_168 = arith.subf %get3A_167, %gather3A_14 : vector<16xf32>
        %gt3A_169 = arith.constant -1.000000e+00 : f32
        %gt3A_170 = vector.broadcast %gt3A_169 : f32 to vector<16xf32>
        %gt3A_171 = arith.cmpf ogt, %sub3A_168, %gt3A_170 : vector<16xf32>
        %swap3A_172 = arith.index_cast %min3A_159 : i32 to index
        %swap3A_173 = tpu.vector_load %arg6[%swap3A_172] masked %gt3A_171 {strides = array<i32>} : memref<2048xf32, #tpu.memory_space<vmem>>, vector<16xf32>, vector<16xi1>
        tpu.vector_store %arg6[%swap3A_172], %sub3A_168 masked %gt3A_171 {strides = array<i32>} : memref<2048xf32, #tpu.memory_space<vmem>>, vector<16xf32>, vector<16xi1>
        %all_reduce_population_count3A_174 = tpu.all_reduce %gt3A_171 {dim = 0 : i64, kind = #tpu.reduction_kind<sum>} : vector<16xi1> -> vector<16xi32>
        %slice3A_175 = vector.extract_strided_slice %all_reduce_population_count3A_174 {offsets = [0], sizes = [1], strides = [1]} : vector<16xi32> to vector<1xi32>
        %squeeze3A_176 = vector.extract %slice3A_175[0] : i32 from vector<1xi32>
        %add3A_177 = arith.addi %min3A_159, %squeeze3A_176 : i32
        %min3A_178 = arith.constant 2032 : i32
        %min3A_179 = arith.minsi %add3A_177, %min3A_178 : i32
        %mul3A_180 = arith.constant 8 : i32
        %mul3A_181 = arith.muli %scan3A_68, %mul3A_180 : i32
        %add3A_182 = arith.constant 5 : i32
        %add3A_183 = arith.addi %mul3A_181, %add3A_182 : i32
        %mul3A_184 = arith.constant 16 : i32
        %mul3A_185 = arith.muli %add3A_183, %mul3A_184 : i32
        %get3A_186 = arith.index_cast %mul3A_185 : i32 to index
        %get3A_187 = tpu.vector_load %arg4[%get3A_186] {strides = array<i32>} : memref<32768xf32, #tpu.memory_space<vmem>>, vector<16xf32>,
        %sub3A_188 = arith.subf %get3A_187, %gather3A_14 : vector<16xf32>
        %gt3A_189 = arith.constant -1.000000e+00 : f32
        %gt3A_190 = vector.broadcast %gt3A_189 : f32 to vector<16xf32>
        %gt3A_191 = arith.cmpf ogt, %sub3A_188, %gt3A_190 : vector<16xf32>
        %swap3A_192 = arith.index_cast %min3A_179 : i32 to index
        %swap3A_193 = tpu.vector_load %arg6[%swap3A_192] masked %gt3A_191 {strides = array<i32>} : memref<2048xf32, #tpu.memory_space<vmem>>, vector<16xf32>, vector<16xi1>
        tpu.vector_store %arg6[%swap3A_192], %sub3A_188 masked %gt3A_191 {strides = array<i32>} : memref<2048xf32, #tpu.memory_space<vmem>>, vector<16xf32>, vector<16xi1>
        %all_reduce_population_count3A_194 = tpu.all_reduce %gt3A_191 {dim = 0 : i64, kind = #tpu.reduction_kind<sum>} : vector<16xi1> -> vector<16xi32>
        %slice3A_195 = vector.extract_strided_slice %all_reduce_population_count3A_194 {offsets = [0], sizes = [1], strides = [1]} : vector<16xi32> to vector<1xi32>
        %squeeze3A_196 = vector.extract %slice3A_195[0] : i32 from vector<1xi32>
        %add3A_197 = arith.addi %min3A_179, %squeeze3A_196 : i32
        %min3A_198 = arith.constant 2032 : i32
        %min3A_199 = arith.minsi %add3A_197, %min3A_198 : i32
        %mul3A_200 = arith.constant 8 : i32
        %mul3A_201 = arith.muli %scan3A_68, %mul3A_200 : i32
        %add3A_202 = arith.constant 6 : i32
        %add3A_203 = arith.addi %mul3A_201, %add3A_202 : i32
        %mul3A_204 = arith.constant 16 : i32
        %mul3A_205 = arith.muli %add3A_203, %mul3A_204 : i32
        %get3A_206 = arith.index_cast %mul3A_205 : i32 to index
        %get3A_207 = tpu.vector_load %arg4[%get3A_206] {strides = array<i32>} : memref<32768xf32, #tpu.memory_space<vmem>>, vector<16xf32>,
        %sub3A_208 = arith.subf %get3A_207, %gather3A_14 : vector<16xf32>
        %gt3A_209 = arith.constant -1.000000e+00 : f32
        %gt3A_210 = vector.broadcast %gt3A_209 : f32 to vector<16xf32>
        %gt3A_211 = arith.cmpf ogt, %sub3A_208, %gt3A_210 : vector<16xf32>
        %swap3A_212 = arith.index_cast %min3A_199 : i32 to index
        %swap3A_213 = tpu.vector_load %arg6[%swap3A_212] masked %gt3A_211 {strides = array<i32>} : memref<2048xf32, #tpu.memory_space<vmem>>, vector<16xf32>, vector<16xi1>
        tpu.vector_store %arg6[%swap3A_212], %sub3A_208 masked %gt3A_211 {strides = array<i32>} : memref<2048xf32, #tpu.memory_space<vmem>>, vector<16xf32>, vector<16xi1>
        %all_reduce_population_count3A_214 = tpu.all_reduce %gt3A_211 {dim = 0 : i64, kind = #tpu.reduction_kind<sum>} : vector<16xi1> -> vector<16xi32>
        %slice3A_215 = vector.extract_strided_slice %all_reduce_population_count3A_214 {offsets = [0], sizes = [1], strides = [1]} : vector<16xi32> to vector<1xi32>
        %squeeze3A_216 = vector.extract %slice3A_215[0] : i32 from vector<1xi32>
        %add3A_217 = arith.addi %min3A_199, %squeeze3A_216 : i32
        %min3A_218 = arith.constant 2032 : i32
        %min3A_219 = arith.minsi %add3A_217, %min3A_218 : i32
        %mul3A_220 = arith.constant 8 : i32
        %mul3A_221 = arith.muli %scan3A_68, %mul3A_220 : i32
        %add3A_222 = arith.constant 7 : i32
        %add3A_223 = arith.addi %mul3A_221, %add3A_222 : i32
        %mul3A_224 = arith.constant 16 : i32
        %mul3A_225 = arith.muli %add3A_223, %mul3A_224 : i32
        %get3A_226 = arith.index_cast %mul3A_225 : i32 to index
        %get3A_227 = tpu.vector_load %arg4[%get3A_226] {strides = array<i32>} : memref<32768xf32, #tpu.memory_space<vmem>>, vector<16xf32>,
        %sub3A_228 = arith.subf %get3A_227, %gather3A_14 : vector<16xf32>
        %gt3A_229 = arith.constant -1.000000e+00 : f32
        %gt3A_230 = vector.broadcast %gt3A_229 : f32 to vector<16xf32>
        %gt3A_231 = arith.cmpf ogt, %sub3A_228, %gt3A_230 : vector<16xf32>
        %swap3A_232 = arith.index_cast %min3A_219 : i32 to index
        %swap3A_233 = tpu.vector_load %arg6[%swap3A_232] masked %gt3A_231 {strides = array<i32>} : memref<2048xf32, #tpu.memory_space<vmem>>, vector<16xf32>, vector<16xi1>
        tpu.vector_store %arg6[%swap3A_232], %sub3A_228 masked %gt3A_231 {strides = array<i32>} : memref<2048xf32, #tpu.memory_space<vmem>>, vector<16xf32>, vector<16xi1>
        %all_reduce_population_count3A_234 = tpu.all_reduce %gt3A_231 {dim = 0 : i64, kind = #tpu.reduction_kind<sum>} : vector<16xi1> -> vector<16xi32>
        %slice3A_235 = vector.extract_strided_slice %all_reduce_population_count3A_234 {offsets = [0], sizes = [1], strides = [1]} : vector<16xi32> to vector<1xi32>
        %squeeze3A_236 = vector.extract %slice3A_235[0] : i32 from vector<1xi32>
        %add3A_237 = arith.addi %min3A_219, %squeeze3A_236 : i32
        %min3A_238 = arith.constant 2032 : i32
        %min3A_239 = arith.minsi %add3A_237, %min3A_238 : i32
        scf.yield %min3A_239 : i32
      } else {
        scf.yield %scan3A_69 : i32
      }
      scf.yield %cond3A_84 : i32
    }
    %scan3A_30 = arith.constant 256 : i32
    %add3A_31 = arith.constant 16 : i32
    %add3A_32 = arith.addi %scan3A_29, %add3A_31 : i32
    %sub3A_33 = arith.constant 1 : i32
    %sub3A_34 = arith.subi %add3A_32, %sub3A_33 : i32
    %jit3A = arith.constant 16 : i32
    %div3A = arith.divsi %sub3A_34, %jit3A : i32
    %sign3A = arith.constant 0 : i32
    %sign3A_35 = arith.cmpi sgt, %sub3A_34, %sign3A : i32
    %sign3A_36 = arith.extui %sign3A_35 : i1 to i32
    %sign3A_37 = arith.constant 0 : i32
    %sign3A_38 = arith.cmpi slt, %sub3A_34, %sign3A_37 : i32
    %sign3A_39 = arith.extui %sign3A_38 : i1 to i32
    %sign3A_40 = arith.subi %sign3A_36, %sign3A_39 : i32
    %sign3A_41 = arith.constant 0 : i32
    %sign3A_42 = arith.cmpi sgt, %jit3A, %sign3A_41 : i32
    %sign3A_43 = arith.extui %sign3A_42 : i1 to i32
    %sign3A_44 = arith.constant 0 : i32
    %sign3A_45 = arith.cmpi slt, %jit3A, %sign3A_44 : i32
    %sign3A_46 = arith.extui %sign3A_45 : i1 to i32
    %sign3A_47 = arith.subi %sign3A_43, %sign3A_46 : i32
    %ne3A = arith.cmpi ne, %sign3A_40, %sign3A_47 : i32
    %rem3A = arith.remsi %sub3A_34, %jit3A : i32
    %ne3A_48 = arith.constant 0 : i32
    %ne3A_49 = arith.cmpi ne, %rem3A, %ne3A_48 : i32
    %and3A = arith.andi %ne3A, %ne3A_49 : i1
    %sub3A_50 = arith.constant 1 : i32
    %sub3A_51 = arith.subi %div3A, %sub3A_50 : i32
    %select_n3A = arith.select %and3A, %sub3A_51, %div3A : i32
    %broadcast_in_dim3A_52 = arith.constant -1.000000e+00 : f32
    %broadcast_in_dim3A_53 = vector.broadcast %broadcast_in_dim3A_52 : f32 to vector<16xf32>
    %scan3A_54 = arith.constant 0 : i32
    %scan3A_55 = arith.constant 10 : i32
    %scan3A_56 = arith.addi %scan3A_54, %scan3A_55 : i32
    %scan3A_57 = arith.constant 1 : i32
    %scan3A_58 = scf.for %scan3A_68 = %scan3A_54 to %scan3A_56 step %scan3A_57 iter_args(%scan3A_69 = %broadcast_in_dim3A_53) -> (vector<16xf32>)  : i32 {
      %broadcast_in_dim3A_70 = arith.constant 0.000000e+00 : f32
      %broadcast_in_dim3A_71 = vector.broadcast %broadcast_in_dim3A_70 : f32 to vector<16xf32>
      %while3A = arith.constant 0 : i32
      %while3A_72 = arith.subi %select_n3A, %while3A : i32
      %while3A_73 = arith.addi %while3A, %while3A_72 : i32
      %while3A_74 = arith.constant 1 : i32
      %while3A_75 = arith.divsi %while3A_72, %while3A_74 : i32
      %while3A_76 = arith.muli %while3A_75, %while3A_74 : i32
      %while3A_77 = arith.addi %while3A, %while3A_76 : i32
      %while3A_78 = arith.constant 1 : i32
      %while3A_79:2 = scf.for %while3A_101 = %while3A to %while3A_77 step %while3A_78 iter_args(%while3A_102 = %broadcast_in_dim3A_71, %while3A_103 = %broadcast_in_dim3A_71) -> (vector<16xf32>, vector<16xf32>)  : i32 {
        %mul3A_104 = arith.constant 16 : i32
        %mul3A_105 = arith.muli %while3A_101, %mul3A_104 : i32
        %get3A = arith.index_cast %mul3A_105 : i32 to index
        %get3A_106 = tpu.vector_load %arg6[%get3A] {strides = array<i32>} : memref<2048xf32, #tpu.memory_space<vmem>>, vector<16xf32>,
        %gt3A = arith.cmpf ogt, %get3A_106, %scan3A_69 : vector<16xf32>
        %jit3A_107 = arith.constant 0.000000e+00 : f32
        %broadcast_in_dim3A_108 = vector.broadcast %jit3A_107 : f32 to vector<16xf32>
        %select_n3A_109 = arith.select %gt3A, %get3A_106, %broadcast_in_dim3A_108 : vector<16xi1>, vector<16xf32>
        %add3A_110 = arith.addf %while3A_102, %select_n3A_109 : vector<16xf32>
        %jit3A_111 = arith.constant 1.000000e+00 : f32
        %jit3A_112 = arith.constant 0.000000e+00 : f32
        %broadcast_in_dim3A_113 = vector.broadcast %jit3A_111 : f32 to vector<16xf32>
        %broadcast_in_dim3A_114 = vector.broadcast %jit3A_112 : f32 to vector<16xf32>
        %select_n3A_115 = arith.select %gt3A, %broadcast_in_dim3A_113, %broadcast_in_dim3A_114 : vector<16xi1>, vector<16xf32>
        %add3A_116 = arith.addf %while3A_103, %select_n3A_115 : vector<16xf32>
        scf.yield %add3A_110, %add3A_116 : vector<16xf32>, vector<16xf32>
      }
      %while3A_80 = arith.constant 1 : i32
      %while3A_81:2 = scf.for %while3A_101 = %while3A_77 to %while3A_73 step %while3A_80 iter_args(%while3A_102 = %while3A_79#0, %while3A_103 = %while3A_79#1) -> (vector<16xf32>, vector<16xf32>)  : i32 {
        %mul3A_104 = arith.constant 16 : i32
        %mul3A_105 = arith.muli %while3A_101, %mul3A_104 : i32
        %get3A = arith.index_cast %mul3A_105 : i32 to index
        %get3A_106 = tpu.vector_load %arg6[%get3A] {strides = array<i32>} : memref<2048xf32, #tpu.memory_space<vmem>>, vector<16xf32>,
        %gt3A = arith.cmpf ogt, %get3A_106, %scan3A_69 : vector<16xf32>
        %jit3A_107 = arith.constant 0.000000e+00 : f32
        %broadcast_in_dim3A_108 = vector.broadcast %jit3A_107 : f32 to vector<16xf32>
        %select_n3A_109 = arith.select %gt3A, %get3A_106, %broadcast_in_dim3A_108 : vector<16xi1>, vector<16xf32>
        %add3A_110 = arith.addf %while3A_102, %select_n3A_109 : vector<16xf32>
        %jit3A_111 = arith.constant 1.000000e+00 : f32
        %jit3A_112 = arith.constant 0.000000e+00 : f32
        %broadcast_in_dim3A_113 = vector.broadcast %jit3A_111 : f32 to vector<16xf32>
        %broadcast_in_dim3A_114 = vector.broadcast %jit3A_112 : f32 to vector<16xf32>
        %select_n3A_115 = arith.select %gt3A, %broadcast_in_dim3A_113, %broadcast_in_dim3A_114 : vector<16xi1>, vector<16xf32>
        %add3A_116 = arith.addf %while3A_103, %select_n3A_115 : vector<16xf32>
        scf.yield %add3A_110, %add3A_116 : vector<16xf32>, vector<16xf32>
      }
      %broadcast_in_dim3A_82 = arith.constant true
      %broadcast_in_dim3A_83 = vector.broadcast %broadcast_in_dim3A_82 : i1 to vector<16xi1>
      %masked_cumsum3A = tpu.scan <sum>, %while3A_81#0 masked %broadcast_in_dim3A_83 : vector<16xf32>, vector<16xi1> -> vector<16xf32>
      %broadcast_in_dim3A_84 = arith.constant 15 : i32
      %broadcast_in_dim3A_85 = vector.broadcast %broadcast_in_dim3A_84 : i32 to vector<16xi32>
      %broadcast_in_dim3A_86 = vector.shape_cast %broadcast_in_dim3A_85 : vector<16xi32> to vector<16x1xi32>
      %gather3A_87 = vector.shape_cast %broadcast_in_dim3A_86 : vector<16x1xi32> to vector<16xi32>
      %gather3A_88 = tpu.dynamic_gather %masked_cumsum3A[%gather3A_87] in [0] : vector<16xf32>, vector<16xi32> -> vector<16xf32>
      %sub3A_89 = arith.constant 1.000000e+00 : f32
      %sub3A_90 = vector.broadcast %sub3A_89 : f32 to vector<16xf32>
      %sub3A_91 = arith.subf %gather3A_88, %sub3A_90 : vector<16xf32>
      %broadcast_in_dim3A_92 = arith.constant true
      %broadcast_in_dim3A_93 = vector.broadcast %broadcast_in_dim3A_92 : i1 to vector<16xi1>
      %masked_cumsum3A_94 = tpu.scan <sum>, %while3A_81#1 masked %broadcast_in_dim3A_93 : vector<16xf32>, vector<16xi1> -> vector<16xf32>
      %broadcast_in_dim3A_95 = arith.constant 15 : i32
      %broadcast_in_dim3A_96 = vector.broadcast %broadcast_in_dim3A_95 : i32 to vector<16xi32>
      %broadcast_in_dim3A_97 = vector.shape_cast %broadcast_in_dim3A_96 : vector<16xi32> to vector<16x1xi32>
      %gather3A_98 = vector.shape_cast %broadcast_in_dim3A_97 : vector<16x1xi32> to vector<16xi32>
      %gather3A_99 = tpu.dynamic_gather %masked_cumsum3A_94[%gather3A_98] in [0] : vector<16xf32>, vector<16xi32> -> vector<16xf32>
      %div3A_100 = arith.divf %sub3A_91, %gather3A_99 : vector<16xf32>
      scf.yield %div3A_100 : vector<16xf32>
    }
    %scan3A_59 = arith.constant 10 : i32
    %add3A_60 = arith.addf %scan3A_58, %gather3A_14 : vector<16xf32>
    %scan3A_61 = arith.constant 0 : i32
    %scan3A_62 = arith.constant 0 : i32
    %scan3A_63 = arith.constant 256 : i32
    %scan3A_64 = arith.addi %scan3A_62, %scan3A_63 : i32
    %scan3A_65 = arith.constant 1 : i32
    %scan3A_66 = scf.for %scan3A_68 = %scan3A_62 to %scan3A_64 step %scan3A_65 iter_args(%scan3A_69 = %scan3A_61) -> (i32)  : i32 {
      %mul3A_70 = arith.constant 8 : i32
      %mul3A_71 = arith.muli %scan3A_68, %mul3A_70 : i32
      %add3A_72 = arith.constant 0 : i32
      %add3A_73 = arith.addi %mul3A_71, %add3A_72 : i32
      %mul3A_74 = arith.constant 16 : i32
      %mul3A_75 = arith.muli %add3A_73, %mul3A_74 : i32
      %get3A = arith.index_cast %mul3A_75 : i32 to index
      %get3A_76 = tpu.vector_load %arg4[%get3A] {strides = array<i32>} : memref<32768xf32, #tpu.memory_space<vmem>>, vector<16xf32>,
      %sub3A_77 = arith.subf %get3A_76, %add3A_60 : vector<16xf32>
      %max3A = arith.constant 0.000000e+00 : f32
      %max3A_78 = vector.broadcast %max3A : f32 to vector<16xf32>
      %max3A_79 = arith.maximumf %sub3A_77, %max3A_78 : vector<16xf32>
      %swap3A = arith.index_cast %mul3A_75 : i32 to index
      %swap3A_80 = tpu.vector_load %arg4[%swap3A] {strides = array<i32>} : memref<32768xf32, #tpu.memory_space<vmem>>, vector<16xf32>,
      tpu.vector_store %arg4[%swap3A], %max3A_79 {strides = array<i32>} : memref<32768xf32, #tpu.memory_space<vmem>>, vector<16xf32>,
      %mul3A_81 = arith.constant 8 : i32
      %mul3A_82 = arith.muli %scan3A_68, %mul3A_81 : i32
      %add3A_83 = arith.constant 1 : i32
      %add3A_84 = arith.addi %mul3A_82, %add3A_83 : i32
      %mul3A_85 = arith.constant 16 : i32
      %mul3A_86 = arith.muli %add3A_84, %mul3A_85 : i32
      %get3A_87 = arith.index_cast %mul3A_86 : i32 to index
      %get3A_88 = tpu.vector_load %arg4[%get3A_87] {strides = array<i32>} : memref<32768xf32, #tpu.memory_space<vmem>>, vector<16xf32>,
      %sub3A_89 = arith.subf %get3A_88, %add3A_60 : vector<16xf32>
      %max3A_90 = arith.constant 0.000000e+00 : f32
      %max3A_91 = vector.broadcast %max3A_90 : f32 to vector<16xf32>
      %max3A_92 = arith.maximumf %sub3A_89, %max3A_91 : vector<16xf32>
      %swap3A_93 = arith.index_cast %mul3A_86 : i32 to index
      %swap3A_94 = tpu.vector_load %arg4[%swap3A_93] {strides = array<i32>} : memref<32768xf32, #tpu.memory_space<vmem>>, vector<16xf32>,
      tpu.vector_store %arg4[%swap3A_93], %max3A_92 {strides = array<i32>} : memref<32768xf32, #tpu.memory_space<vmem>>, vector<16xf32>,
      %mul3A_95 = arith.constant 8 : i32
      %mul3A_96 = arith.muli %scan3A_68, %mul3A_95 : i32
      %add3A_97 = arith.constant 2 : i32
      %add3A_98 = arith.addi %mul3A_96, %add3A_97 : i32
      %mul3A_99 = arith.constant 16 : i32
      %mul3A_100 = arith.muli %add3A_98, %mul3A_99 : i32
      %get3A_101 = arith.index_cast %mul3A_100 : i32 to index
      %get3A_102 = tpu.vector_load %arg4[%get3A_101] {strides = array<i32>} : memref<32768xf32, #tpu.memory_space<vmem>>, vector<16xf32>,
      %sub3A_103 = arith.subf %get3A_102, %add3A_60 : vector<16xf32>
      %max3A_104 = arith.constant 0.000000e+00 : f32
      %max3A_105 = vector.broadcast %max3A_104 : f32 to vector<16xf32>
      %max3A_106 = arith.maximumf %sub3A_103, %max3A_105 : vector<16xf32>
      %swap3A_107 = arith.index_cast %mul3A_100 : i32 to index
      %swap3A_108 = tpu.vector_load %arg4[%swap3A_107] {strides = array<i32>} : memref<32768xf32, #tpu.memory_space<vmem>>, vector<16xf32>,
      tpu.vector_store %arg4[%swap3A_107], %max3A_106 {strides = array<i32>} : memref<32768xf32, #tpu.memory_space<vmem>>, vector<16xf32>,
      %mul3A_109 = arith.constant 8 : i32
      %mul3A_110 = arith.muli %scan3A_68, %mul3A_109 : i32
      %add3A_111 = arith.constant 3 : i32
      %add3A_112 = arith.addi %mul3A_110, %add3A_111 : i32
      %mul3A_113 = arith.constant 16 : i32
      %mul3A_114 = arith.muli %add3A_112, %mul3A_113 : i32
      %get3A_115 = arith.index_cast %mul3A_114 : i32 to index
      %get3A_116 = tpu.vector_load %arg4[%get3A_115] {strides = array<i32>} : memref<32768xf32, #tpu.memory_space<vmem>>, vector<16xf32>,
      %sub3A_117 = arith.subf %get3A_116, %add3A_60 : vector<16xf32>
      %max3A_118 = arith.constant 0.000000e+00 : f32
      %max3A_119 = vector.broadcast %max3A_118 : f32 to vector<16xf32>
      %max3A_120 = arith.maximumf %sub3A_117, %max3A_119 : vector<16xf32>
      %swap3A_121 = arith.index_cast %mul3A_114 : i32 to index
      %swap3A_122 = tpu.vector_load %arg4[%swap3A_121] {strides = array<i32>} : memref<32768xf32, #tpu.memory_space<vmem>>, vector<16xf32>,
      tpu.vector_store %arg4[%swap3A_121], %max3A_120 {strides = array<i32>} : memref<32768xf32, #tpu.memory_space<vmem>>, vector<16xf32>,
      %mul3A_123 = arith.constant 8 : i32
      %mul3A_124 = arith.muli %scan3A_68, %mul3A_123 : i32
      %add3A_125 = arith.constant 4 : i32
      %add3A_126 = arith.addi %mul3A_124, %add3A_125 : i32
      %mul3A_127 = arith.constant 16 : i32
      %mul3A_128 = arith.muli %add3A_126, %mul3A_127 : i32
      %get3A_129 = arith.index_cast %mul3A_128 : i32 to index
      %get3A_130 = tpu.vector_load %arg4[%get3A_129] {strides = array<i32>} : memref<32768xf32, #tpu.memory_space<vmem>>, vector<16xf32>,
      %sub3A_131 = arith.subf %get3A_130, %add3A_60 : vector<16xf32>
      %max3A_132 = arith.constant 0.000000e+00 : f32
      %max3A_133 = vector.broadcast %max3A_132 : f32 to vector<16xf32>
      %max3A_134 = arith.maximumf %sub3A_131, %max3A_133 : vector<16xf32>
      %swap3A_135 = arith.index_cast %mul3A_128 : i32 to index
      %swap3A_136 = tpu.vector_load %arg4[%swap3A_135] {strides = array<i32>} : memref<32768xf32, #tpu.memory_space<vmem>>, vector<16xf32>,
      tpu.vector_store %arg4[%swap3A_135], %max3A_134 {strides = array<i32>} : memref<32768xf32, #tpu.memory_space<vmem>>, vector<16xf32>,
      %mul3A_137 = arith.constant 8 : i32
      %mul3A_138 = arith.muli %scan3A_68, %mul3A_137 : i32
      %add3A_139 = arith.constant 5 : i32
      %add3A_140 = arith.addi %mul3A_138, %add3A_139 : i32
      %mul3A_141 = arith.constant 16 : i32
      %mul3A_142 = arith.muli %add3A_140, %mul3A_141 : i32
      %get3A_143 = arith.index_cast %mul3A_142 : i32 to index
      %get3A_144 = tpu.vector_load %arg4[%get3A_143] {strides = array<i32>} : memref<32768xf32, #tpu.memory_space<vmem>>, vector<16xf32>,
      %sub3A_145 = arith.subf %get3A_144, %add3A_60 : vector<16xf32>
      %max3A_146 = arith.constant 0.000000e+00 : f32
      %max3A_147 = vector.broadcast %max3A_146 : f32 to vector<16xf32>
      %max3A_148 = arith.maximumf %sub3A_145, %max3A_147 : vector<16xf32>
      %swap3A_149 = arith.index_cast %mul3A_142 : i32 to index
      %swap3A_150 = tpu.vector_load %arg4[%swap3A_149] {strides = array<i32>} : memref<32768xf32, #tpu.memory_space<vmem>>, vector<16xf32>,
      tpu.vector_store %arg4[%swap3A_149], %max3A_148 {strides = array<i32>} : memref<32768xf32, #tpu.memory_space<vmem>>, vector<16xf32>,
      %mul3A_151 = arith.constant 8 : i32
      %mul3A_152 = arith.muli %scan3A_68, %mul3A_151 : i32
      %add3A_153 = arith.constant 6 : i32
      %add3A_154 = arith.addi %mul3A_152, %add3A_153 : i32
      %mul3A_155 = arith.constant 16 : i32
      %mul3A_156 = arith.muli %add3A_154, %mul3A_155 : i32
      %get3A_157 = arith.index_cast %mul3A_156 : i32 to index
      %get3A_158 = tpu.vector_load %arg4[%get3A_157] {strides = array<i32>} : memref<32768xf32, #tpu.memory_space<vmem>>, vector<16xf32>,
      %sub3A_159 = arith.subf %get3A_158, %add3A_60 : vector<16xf32>
      %max3A_160 = arith.constant 0.000000e+00 : f32
      %max3A_161 = vector.broadcast %max3A_160 : f32 to vector<16xf32>
      %max3A_162 = arith.maximumf %sub3A_159, %max3A_161 : vector<16xf32>
      %swap3A_163 = arith.index_cast %mul3A_156 : i32 to index
      %swap3A_164 = tpu.vector_load %arg4[%swap3A_163] {strides = array<i32>} : memref<32768xf32, #tpu.memory_space<vmem>>, vector<16xf32>,
      tpu.vector_store %arg4[%swap3A_163], %max3A_162 {strides = array<i32>} : memref<32768xf32, #tpu.memory_space<vmem>>, vector<16xf32>,
      %mul3A_165 = arith.constant 8 : i32
      %mul3A_166 = arith.muli %scan3A_68, %mul3A_165 : i32
      %add3A_167 = arith.constant 7 : i32
      %add3A_168 = arith.addi %mul3A_166, %add3A_167 : i32
      %mul3A_169 = arith.constant 16 : i32
      %mul3A_170 = arith.muli %add3A_168, %mul3A_169 : i32
      %get3A_171 = arith.index_cast %mul3A_170 : i32 to index
      %get3A_172 = tpu.vector_load %arg4[%get3A_171] {strides = array<i32>} : memref<32768xf32, #tpu.memory_space<vmem>>, vector<16xf32>,
      %sub3A_173 = arith.subf %get3A_172, %add3A_60 : vector<16xf32>
      %max3A_174 = arith.constant 0.000000e+00 : f32
      %max3A_175 = vector.broadcast %max3A_174 : f32 to vector<16xf32>
      %max3A_176 = arith.maximumf %sub3A_173, %max3A_175 : vector<16xf32>
      %swap3A_177 = arith.index_cast %mul3A_170 : i32 to index
      %swap3A_178 = tpu.vector_load %arg4[%swap3A_177] {strides = array<i32>} : memref<32768xf32, #tpu.memory_space<vmem>>, vector<16xf32>,
      tpu.vector_store %arg4[%swap3A_177], %max3A_176 {strides = array<i32>} : memref<32768xf32, #tpu.memory_space<vmem>>, vector<16xf32>,
      %scan3A_179 = arith.constant 0 : i32
      scf.yield %scan3A_179 : i32
    }
    %scan3A_67 = arith.constant 256 : i32
    "tpu.region"() ({
      %run_scoped3A = tpu.sem_alloc : memref<!tpu.dma_semaphore, #tpu.memory_space<semaphore_mem>>
      %dma_start3A = arith.constant 0 : i32
      %dma_start3A_68 = tpu.memref_slice %arg3[%add3A, %dma_start3A] : memref<32x32768xf32, #tpu.memory_space<hbm>> -> memref<1x32768xf32, #tpu.memory_space<hbm>>
      %dma_start3A_69 = tpu.memref_squeeze %dma_start3A_68 : memref<1x32768xf32, #tpu.memory_space<hbm>> -> memref<32768xf32, #tpu.memory_space<hbm>>
      %dma_start3A_70 = arith.constant 0 : i32
      %dma_start3A_71 = tpu.memref_slice %arg3[%add3A, %dma_start3A_70] : memref<32x32768xf32, #tpu.memory_space<hbm>> -> memref<1x32768xf32, #tpu.memory_space<hbm>>
      %dma_start3A_72 = tpu.memref_squeeze %dma_start3A_71 : memref<1x32768xf32, #tpu.memory_space<hbm>> -> memref<32768xf32, #tpu.memory_space<hbm>>
      tpu.enqueue_dma source(%arg4 : memref<32768xf32, #tpu.memory_space<vmem>>) target(%dma_start3A_72 : memref<32768xf32, #tpu.memory_space<hbm>>) target_semaphore(%run_scoped3A : memref<!tpu.dma_semaphore, #tpu.memory_space<semaphore_mem>>)
      %dma_wait3A = arith.constant 0 : i32
      %dma_wait3A_73 = tpu.memref_slice %arg3[%add3A, %dma_wait3A] : memref<32x32768xf32, #tpu.memory_space<hbm>> -> memref<1x32768xf32, #tpu.memory_space<hbm>>
      %dma_wait3A_74 = tpu.memref_squeeze %dma_wait3A_73 : memref<1x32768xf32, #tpu.memory_space<hbm>> -> memref<32768xf32, #tpu.memory_space<hbm>>
      %dma_wait3A_75 = arith.constant 0 : i32
      %dma_wait3A_76 = tpu.memref_slice %arg3[%add3A, %dma_wait3A_75] : memref<32x32768xf32, #tpu.memory_space<hbm>> -> memref<1x32768xf32, #tpu.memory_space<hbm>>
      %dma_wait3A_77 = tpu.memref_squeeze %dma_wait3A_76 : memref<1x32768xf32, #tpu.memory_space<hbm>> -> memref<32768xf32, #tpu.memory_space<hbm>>
      tpu.wait_dma2 semaphore(%run_scoped3A : memref<!tpu.dma_semaphore, #tpu.memory_space<semaphore_mem>>) src(%arg4 : memref<32768xf32, #tpu.memory_space<vmem>>) dst(%dma_wait3A_77 : memref<32768xf32, #tpu.memory_space<hbm>>)
      tpu.yield
    }) : () -> ()
    return
  }
}

module attributes {stable_mosaic.version = 14 : i64} {
  func.func @_sparsemax_block(%arg0: i32, %arg1: memref<16x32768xf32, #tpu.memory_space<vmem>>, %arg2: memref<16x32768xf32, #tpu.memory_space<vmem>>) attributes {dimension_semantics = [#tpu.dimension_semantics<arbitrary>], iteration_bounds = array<i64: 6>, scalar_prefetch = 0 : i64, scratch_operands = 0 : i64, tpu.core_type = #tpu.core_type<tc>, window_params = [{transform_indices = @transform_0, window_bounds = array<i64: 16, 32768>}, {transform_indices = @transform_1, window_bounds = array<i64: 16, 32768>}]} {
    %get3A = arith.constant 0 : index
    %get3A_0 = arith.constant 0 : index
    %get3A_1 = vector.load %arg1[%get3A, %get3A_0] : memref<16x32768xf32, #tpu.memory_space<vmem>>, vector<16x32768xf32>
    %reduce_max3A = arith.constant dense<0xFF800000> : vector<16xf32>
    %reduce_max3A_2 = vector.multi_reduction <maximumf>, %get3A_1, %reduce_max3A [1] : vector<16x32768xf32> to vector<16xf32>
    %broadcast_in_dim3A = vector.shape_cast %reduce_max3A_2 : vector<16xf32> to vector<16x1xf32>
    %sub3A = vector.broadcast %broadcast_in_dim3A : vector<16x1xf32> to vector<16x32768xf32>
    %sub3A_3 = arith.subf %get3A_1, %sub3A : vector<16x32768xf32>
    %broadcast_in_dim3A_4 = arith.constant -1.000000e+00 : f32
    %broadcast_in_dim3A_5 = vector.broadcast %broadcast_in_dim3A_4 : f32 to vector<16x1xf32>
    %gt3A = vector.broadcast %broadcast_in_dim3A_5 : vector<16x1xf32> to vector<16x32768xf32>
    %gt3A_6 = arith.cmpf ogt, %sub3A_3, %gt3A : vector<16x32768xf32>
    %jit3A = arith.constant 0.000000e+00 : f32
    %broadcast_in_dim3A_7 = vector.broadcast %jit3A : f32 to vector<16x32768xf32>
    %select_n3A = arith.select %gt3A_6, %sub3A_3, %broadcast_in_dim3A_7 : vector<16x32768xi1>, vector<16x32768xf32>
    %reduce_sum3A = arith.constant dense<0.000000e+00> : vector<16xf32>
    %reduce_sum3A_8 = vector.multi_reduction <add>, %select_n3A, %reduce_sum3A [1] : vector<16x32768xf32> to vector<16xf32>
    %broadcast_in_dim3A_9 = vector.shape_cast %reduce_sum3A_8 : vector<16xf32> to vector<16x1xf32>
    %convert_element_type3A = arith.extui %gt3A_6 : vector<16x32768xi1> to vector<16x32768xi32>
    %convert_element_type3A_10 = arith.sitofp %convert_element_type3A : vector<16x32768xi32> to vector<16x32768xf32>
    %reduce_sum3A_11 = arith.constant dense<0.000000e+00> : vector<16xf32>
    %reduce_sum3A_12 = vector.multi_reduction <add>, %convert_element_type3A_10, %reduce_sum3A_11 [1] : vector<16x32768xf32> to vector<16xf32>
    %broadcast_in_dim3A_13 = vector.shape_cast %reduce_sum3A_12 : vector<16xf32> to vector<16x1xf32>
    %sub3A_14 = arith.constant 1.000000e+00 : f32
    %sub3A_15 = vector.broadcast %sub3A_14 : f32 to vector<16x1xf32>
    %sub3A_16 = arith.subf %broadcast_in_dim3A_9, %sub3A_15 : vector<16x1xf32>
    %div3A = arith.divf %sub3A_16, %broadcast_in_dim3A_13 : vector<16x1xf32>
    %gt3A_17 = vector.broadcast %div3A : vector<16x1xf32> to vector<16x32768xf32>
    %gt3A_18 = arith.cmpf ogt, %sub3A_3, %gt3A_17 : vector<16x32768xf32>
    %jit3A_19 = arith.constant 0.000000e+00 : f32
    %broadcast_in_dim3A_20 = vector.broadcast %jit3A_19 : f32 to vector<16x32768xf32>
    %select_n3A_21 = arith.select %gt3A_18, %sub3A_3, %broadcast_in_dim3A_20 : vector<16x32768xi1>, vector<16x32768xf32>
    %reduce_sum3A_22 = arith.constant dense<0.000000e+00> : vector<16xf32>
    %reduce_sum3A_23 = vector.multi_reduction <add>, %select_n3A_21, %reduce_sum3A_22 [1] : vector<16x32768xf32> to vector<16xf32>
    %broadcast_in_dim3A_24 = vector.shape_cast %reduce_sum3A_23 : vector<16xf32> to vector<16x1xf32>
    %convert_element_type3A_25 = arith.extui %gt3A_18 : vector<16x32768xi1> to vector<16x32768xi32>
    %convert_element_type3A_26 = arith.sitofp %convert_element_type3A_25 : vector<16x32768xi32> to vector<16x32768xf32>
    %reduce_sum3A_27 = arith.constant dense<0.000000e+00> : vector<16xf32>
    %reduce_sum3A_28 = vector.multi_reduction <add>, %convert_element_type3A_26, %reduce_sum3A_27 [1] : vector<16x32768xf32> to vector<16xf32>
    %broadcast_in_dim3A_29 = vector.shape_cast %reduce_sum3A_28 : vector<16xf32> to vector<16x1xf32>
    %sub3A_30 = arith.constant 1.000000e+00 : f32
    %sub3A_31 = vector.broadcast %sub3A_30 : f32 to vector<16x1xf32>
    %sub3A_32 = arith.subf %broadcast_in_dim3A_24, %sub3A_31 : vector<16x1xf32>
    %div3A_33 = arith.divf %sub3A_32, %broadcast_in_dim3A_29 : vector<16x1xf32>
    %gt3A_34 = vector.broadcast %div3A_33 : vector<16x1xf32> to vector<16x32768xf32>
    %gt3A_35 = arith.cmpf ogt, %sub3A_3, %gt3A_34 : vector<16x32768xf32>
    %jit3A_36 = arith.constant 0.000000e+00 : f32
    %broadcast_in_dim3A_37 = vector.broadcast %jit3A_36 : f32 to vector<16x32768xf32>
    %select_n3A_38 = arith.select %gt3A_35, %sub3A_3, %broadcast_in_dim3A_37 : vector<16x32768xi1>, vector<16x32768xf32>
    %reduce_sum3A_39 = arith.constant dense<0.000000e+00> : vector<16xf32>
    %reduce_sum3A_40 = vector.multi_reduction <add>, %select_n3A_38, %reduce_sum3A_39 [1] : vector<16x32768xf32> to vector<16xf32>
    %broadcast_in_dim3A_41 = vector.shape_cast %reduce_sum3A_40 : vector<16xf32> to vector<16x1xf32>
    %convert_element_type3A_42 = arith.extui %gt3A_35 : vector<16x32768xi1> to vector<16x32768xi32>
    %convert_element_type3A_43 = arith.sitofp %convert_element_type3A_42 : vector<16x32768xi32> to vector<16x32768xf32>
    %reduce_sum3A_44 = arith.constant dense<0.000000e+00> : vector<16xf32>
    %reduce_sum3A_45 = vector.multi_reduction <add>, %convert_element_type3A_43, %reduce_sum3A_44 [1] : vector<16x32768xf32> to vector<16xf32>
    %broadcast_in_dim3A_46 = vector.shape_cast %reduce_sum3A_45 : vector<16xf32> to vector<16x1xf32>
    %sub3A_47 = arith.constant 1.000000e+00 : f32
    %sub3A_48 = vector.broadcast %sub3A_47 : f32 to vector<16x1xf32>
    %sub3A_49 = arith.subf %broadcast_in_dim3A_41, %sub3A_48 : vector<16x1xf32>
    %div3A_50 = arith.divf %sub3A_49, %broadcast_in_dim3A_46 : vector<16x1xf32>
    %gt3A_51 = vector.broadcast %div3A_50 : vector<16x1xf32> to vector<16x32768xf32>
    %gt3A_52 = arith.cmpf ogt, %sub3A_3, %gt3A_51 : vector<16x32768xf32>
    %jit3A_53 = arith.constant 0.000000e+00 : f32
    %broadcast_in_dim3A_54 = vector.broadcast %jit3A_53 : f32 to vector<16x32768xf32>
    %select_n3A_55 = arith.select %gt3A_52, %sub3A_3, %broadcast_in_dim3A_54 : vector<16x32768xi1>, vector<16x32768xf32>
    %reduce_sum3A_56 = arith.constant dense<0.000000e+00> : vector<16xf32>
    %reduce_sum3A_57 = vector.multi_reduction <add>, %select_n3A_55, %reduce_sum3A_56 [1] : vector<16x32768xf32> to vector<16xf32>
    %broadcast_in_dim3A_58 = vector.shape_cast %reduce_sum3A_57 : vector<16xf32> to vector<16x1xf32>
    %convert_element_type3A_59 = arith.extui %gt3A_52 : vector<16x32768xi1> to vector<16x32768xi32>
    %convert_element_type3A_60 = arith.sitofp %convert_element_type3A_59 : vector<16x32768xi32> to vector<16x32768xf32>
    %reduce_sum3A_61 = arith.constant dense<0.000000e+00> : vector<16xf32>
    %reduce_sum3A_62 = vector.multi_reduction <add>, %convert_element_type3A_60, %reduce_sum3A_61 [1] : vector<16x32768xf32> to vector<16xf32>
    %broadcast_in_dim3A_63 = vector.shape_cast %reduce_sum3A_62 : vector<16xf32> to vector<16x1xf32>
    %sub3A_64 = arith.constant 1.000000e+00 : f32
    %sub3A_65 = vector.broadcast %sub3A_64 : f32 to vector<16x1xf32>
    %sub3A_66 = arith.subf %broadcast_in_dim3A_58, %sub3A_65 : vector<16x1xf32>
    %div3A_67 = arith.divf %sub3A_66, %broadcast_in_dim3A_63 : vector<16x1xf32>
    %gt3A_68 = vector.broadcast %div3A_67 : vector<16x1xf32> to vector<16x32768xf32>
    %gt3A_69 = arith.cmpf ogt, %sub3A_3, %gt3A_68 : vector<16x32768xf32>
    %jit3A_70 = arith.constant 0.000000e+00 : f32
    %broadcast_in_dim3A_71 = vector.broadcast %jit3A_70 : f32 to vector<16x32768xf32>
    %select_n3A_72 = arith.select %gt3A_69, %sub3A_3, %broadcast_in_dim3A_71 : vector<16x32768xi1>, vector<16x32768xf32>
    %reduce_sum3A_73 = arith.constant dense<0.000000e+00> : vector<16xf32>
    %reduce_sum3A_74 = vector.multi_reduction <add>, %select_n3A_72, %reduce_sum3A_73 [1] : vector<16x32768xf32> to vector<16xf32>
    %broadcast_in_dim3A_75 = vector.shape_cast %reduce_sum3A_74 : vector<16xf32> to vector<16x1xf32>
    %convert_element_type3A_76 = arith.extui %gt3A_69 : vector<16x32768xi1> to vector<16x32768xi32>
    %convert_element_type3A_77 = arith.sitofp %convert_element_type3A_76 : vector<16x32768xi32> to vector<16x32768xf32>
    %reduce_sum3A_78 = arith.constant dense<0.000000e+00> : vector<16xf32>
    %reduce_sum3A_79 = vector.multi_reduction <add>, %convert_element_type3A_77, %reduce_sum3A_78 [1] : vector<16x32768xf32> to vector<16xf32>
    %broadcast_in_dim3A_80 = vector.shape_cast %reduce_sum3A_79 : vector<16xf32> to vector<16x1xf32>
    %sub3A_81 = arith.constant 1.000000e+00 : f32
    %sub3A_82 = vector.broadcast %sub3A_81 : f32 to vector<16x1xf32>
    %sub3A_83 = arith.subf %broadcast_in_dim3A_75, %sub3A_82 : vector<16x1xf32>
    %div3A_84 = arith.divf %sub3A_83, %broadcast_in_dim3A_80 : vector<16x1xf32>
    %gt3A_85 = vector.broadcast %div3A_84 : vector<16x1xf32> to vector<16x32768xf32>
    %gt3A_86 = arith.cmpf ogt, %sub3A_3, %gt3A_85 : vector<16x32768xf32>
    %jit3A_87 = arith.constant 0.000000e+00 : f32
    %broadcast_in_dim3A_88 = vector.broadcast %jit3A_87 : f32 to vector<16x32768xf32>
    %select_n3A_89 = arith.select %gt3A_86, %sub3A_3, %broadcast_in_dim3A_88 : vector<16x32768xi1>, vector<16x32768xf32>
    %reduce_sum3A_90 = arith.constant dense<0.000000e+00> : vector<16xf32>
    %reduce_sum3A_91 = vector.multi_reduction <add>, %select_n3A_89, %reduce_sum3A_90 [1] : vector<16x32768xf32> to vector<16xf32>
    %broadcast_in_dim3A_92 = vector.shape_cast %reduce_sum3A_91 : vector<16xf32> to vector<16x1xf32>
    %convert_element_type3A_93 = arith.extui %gt3A_86 : vector<16x32768xi1> to vector<16x32768xi32>
    %convert_element_type3A_94 = arith.sitofp %convert_element_type3A_93 : vector<16x32768xi32> to vector<16x32768xf32>
    %reduce_sum3A_95 = arith.constant dense<0.000000e+00> : vector<16xf32>
    %reduce_sum3A_96 = vector.multi_reduction <add>, %convert_element_type3A_94, %reduce_sum3A_95 [1] : vector<16x32768xf32> to vector<16xf32>
    %broadcast_in_dim3A_97 = vector.shape_cast %reduce_sum3A_96 : vector<16xf32> to vector<16x1xf32>
    %sub3A_98 = arith.constant 1.000000e+00 : f32
    %sub3A_99 = vector.broadcast %sub3A_98 : f32 to vector<16x1xf32>
    %sub3A_100 = arith.subf %broadcast_in_dim3A_92, %sub3A_99 : vector<16x1xf32>
    %div3A_101 = arith.divf %sub3A_100, %broadcast_in_dim3A_97 : vector<16x1xf32>
    %gt3A_102 = vector.broadcast %div3A_101 : vector<16x1xf32> to vector<16x32768xf32>
    %gt3A_103 = arith.cmpf ogt, %sub3A_3, %gt3A_102 : vector<16x32768xf32>
    %jit3A_104 = arith.constant 0.000000e+00 : f32
    %broadcast_in_dim3A_105 = vector.broadcast %jit3A_104 : f32 to vector<16x32768xf32>
    %select_n3A_106 = arith.select %gt3A_103, %sub3A_3, %broadcast_in_dim3A_105 : vector<16x32768xi1>, vector<16x32768xf32>
    %reduce_sum3A_107 = arith.constant dense<0.000000e+00> : vector<16xf32>
    %reduce_sum3A_108 = vector.multi_reduction <add>, %select_n3A_106, %reduce_sum3A_107 [1] : vector<16x32768xf32> to vector<16xf32>
    %broadcast_in_dim3A_109 = vector.shape_cast %reduce_sum3A_108 : vector<16xf32> to vector<16x1xf32>
    %convert_element_type3A_110 = arith.extui %gt3A_103 : vector<16x32768xi1> to vector<16x32768xi32>
    %convert_element_type3A_111 = arith.sitofp %convert_element_type3A_110 : vector<16x32768xi32> to vector<16x32768xf32>
    %reduce_sum3A_112 = arith.constant dense<0.000000e+00> : vector<16xf32>
    %reduce_sum3A_113 = vector.multi_reduction <add>, %convert_element_type3A_111, %reduce_sum3A_112 [1] : vector<16x32768xf32> to vector<16xf32>
    %broadcast_in_dim3A_114 = vector.shape_cast %reduce_sum3A_113 : vector<16xf32> to vector<16x1xf32>
    %sub3A_115 = arith.constant 1.000000e+00 : f32
    %sub3A_116 = vector.broadcast %sub3A_115 : f32 to vector<16x1xf32>
    %sub3A_117 = arith.subf %broadcast_in_dim3A_109, %sub3A_116 : vector<16x1xf32>
    %div3A_118 = arith.divf %sub3A_117, %broadcast_in_dim3A_114 : vector<16x1xf32>
    %gt3A_119 = vector.broadcast %div3A_118 : vector<16x1xf32> to vector<16x32768xf32>
    %gt3A_120 = arith.cmpf ogt, %sub3A_3, %gt3A_119 : vector<16x32768xf32>
    %jit3A_121 = arith.constant 0.000000e+00 : f32
    %broadcast_in_dim3A_122 = vector.broadcast %jit3A_121 : f32 to vector<16x32768xf32>
    %select_n3A_123 = arith.select %gt3A_120, %sub3A_3, %broadcast_in_dim3A_122 : vector<16x32768xi1>, vector<16x32768xf32>
    %reduce_sum3A_124 = arith.constant dense<0.000000e+00> : vector<16xf32>
    %reduce_sum3A_125 = vector.multi_reduction <add>, %select_n3A_123, %reduce_sum3A_124 [1] : vector<16x32768xf32> to vector<16xf32>
    %broadcast_in_dim3A_126 = vector.shape_cast %reduce_sum3A_125 : vector<16xf32> to vector<16x1xf32>
    %convert_element_type3A_127 = arith.extui %gt3A_120 : vector<16x32768xi1> to vector<16x32768xi32>
    %convert_element_type3A_128 = arith.sitofp %convert_element_type3A_127 : vector<16x32768xi32> to vector<16x32768xf32>
    %reduce_sum3A_129 = arith.constant dense<0.000000e+00> : vector<16xf32>
    %reduce_sum3A_130 = vector.multi_reduction <add>, %convert_element_type3A_128, %reduce_sum3A_129 [1] : vector<16x32768xf32> to vector<16xf32>
    %broadcast_in_dim3A_131 = vector.shape_cast %reduce_sum3A_130 : vector<16xf32> to vector<16x1xf32>
    %sub3A_132 = arith.constant 1.000000e+00 : f32
    %sub3A_133 = vector.broadcast %sub3A_132 : f32 to vector<16x1xf32>
    %sub3A_134 = arith.subf %broadcast_in_dim3A_126, %sub3A_133 : vector<16x1xf32>
    %div3A_135 = arith.divf %sub3A_134, %broadcast_in_dim3A_131 : vector<16x1xf32>
    %sub3A_136 = vector.broadcast %div3A_135 : vector<16x1xf32> to vector<16x32768xf32>
    %sub3A_137 = arith.subf %sub3A_3, %sub3A_136 : vector<16x32768xf32>
    %max3A = arith.constant 0.000000e+00 : f32
    %max3A_138 = vector.broadcast %max3A : f32 to vector<16x32768xf32>
    %max3A_139 = arith.maximumf %sub3A_137, %max3A_138 : vector<16x32768xf32>
    %swap3A = arith.constant 0 : index
    %swap3A_140 = arith.constant 0 : index
    %swap3A_141 = vector.load %arg2[%swap3A, %swap3A_140] : memref<16x32768xf32, #tpu.memory_space<vmem>>, vector<16x32768xf32>
    tpu.vector_store %arg2[%swap3A, %swap3A_140], %max3A_139 {strides = array<i32>} : memref<16x32768xf32, #tpu.memory_space<vmem>>, vector<16x32768xf32>,
    return
  }
  func.func @transform_0(%arg0: i32) -> (i32, i32) {
    %c0_i32 = arith.constant 0 : i32
    %c0_i32_0 = arith.constant 0 : i32
    return %arg0, %c0_i32 : i32, i32
  }
  func.func @transform_1(%arg0: i32) -> (i32, i32) {
    %c0_i32 = arith.constant 0 : i32
    %c0_i32_0 = arith.constant 0 : i32
    return %arg0, %c0_i32 : i32, i32
  }
}

</mosaic_0001>

<sc_bundles>
// kernel: kernel.4.cloned.1.call-start
scs
__scs_entry_jumppad:
0x0: {  	(pc) =	sbr.rel $0x88, $3  }
0x1: {  	(tag) =	ssettag $0x0;
	lr =	simm.s32 $0x1  }
0x2: {  	[smem:$0x3FA0] =	sst lr;
	_ =	strace $0xD0000000  }
0x3: {  	_ = 	snop  }
0x4: {  	_ = 	snop  }
0x5: {  	_ = 	snop  }
0x6: {  	_ = 	snop  }
0x7: {  	_ = 	snop  }
__scs_overlays_trampoline_lowered:
0x8: {  	[smem:$0x3FAF] =	sst s0  }
0x9: {  	[smem:$0x3FB0] =	sst s1  }
0xa: {  	[smem:$0x3FB1] =	sst s2  }
0xb: {  	[smem:$0x3FB2] =	sst s3  }
0xc: {  	[smem:$0x3FB3] =	sst s4  }
0xd: {  	[smem:$0x3FB4] =	sst s5  }
0xe: {  	[smem:$0x3FB5] =	sst s6  }
0xf: {  	[smem:$0x3FB6] =	sst s7  }
0x10: {  	[smem:$0x3FB7] =	sst s8  }
0x11: {  	[smem:$0x3FB8] =	sst s9;
	s0 =	simm.s32 @!p0 $0x0  }
0x12: {  	s1 =	sld [smem:$0x3F9E];
	s0 =	simm.s32 @p0 $0x1  }
0x13: {  	[smem:$0x3FB9] =	sst s0;
	s0 =	simm.s32 @!p1 $0x0  }
0x14: {  	s2 =	sld [smem:$0x3F9D];
	s0 =	simm.s32 @p1 $0x1  }
0x15: {  	[smem:$0x3FBA] =	sst s0;
	s0 =	simm.s32 @!p2 $0x0  }
0x16: {  	s3 =	sld [smem:$0x3FDB];
	s0 =	simm.s32 @p2 $0x1  }
0x17: {  	s4 =	simm.s32 $0x1BF5;
	[smem:$0x3FBC] =	sst s0  }
0x18: {  	s0 =	sld [smem:$0x3F9F];
	_ =	swait.ge [sflag:s4], $0x0  }
0x19: {  	s7 =	sld [smem:$0x3FA0]  }
0x1a: {  	s8 =	sadd.s32 $0xFFFFE003, lr  }
0x1b: {  	s9 =	sadd.s32 $0xFFFFFEF7, lr;
	s5 =	simm.s32 $0xFFFFFFFF;
	p2 =	slt.u32 s8, $0xFFFFF086  }
0x1c: {  	p1 =	slt.u32 s9, $0xF7A;
	s5 =	simm.s32 @!p2 $0x0  }
0x1d: {  	s5 =	simm.s32 @p1 $0x1;
	p0 =	seq.s32 s7, s2  }
0x1e: {  	s7 =	smul.u32 @!p0 $0xF7A, s2;
	p2 =	seq.s32 @!p0 s5, $0x0  }
0x1f: {  	s9 =	smul.u32 $0xF7A, s1;
	s8 =	simm.s32 @!p0 $0x1BF5;
	p2 =	por !p2, p0  }
0x20: {  	[sflag:s8] =	ssyncset.s32 @!p0 $0xFFFFF086;
	s6 =	sadd.s32 @!p0 s3, s7;
	s7 =	simm.s32 @!p0 $0x108  }
0x21: {  	s3 =	sadd.s32 s3, s9;
	s6 =	sadd.s32 @!p0 $0x88, s6;
	s7 =	simm.s32 @p2 $0x1082  }
0x22: {  	[simem:s7], [sflag:s8] =	dma.local @!p0 [hbm:s6], $0xF7A  }
0x23: {  	s9 =	sor.u32 $0xD0000000, s2;
	s6 =	simm.s32 $0x108;
	_ =	swait.ge @!p0 [sflag:s8], $0x0  }
0x24: {  	s3 =	sadd.s32 $0x88, s3;
	s6 =	simm.s32 @!p1 $0x1082;
	[sflag:s4] =	ssyncset.s32 $0xFFFFF086  }
0x25: {  	[simem:s6], [sflag:s4] =	dma.local [hbm:s3], $0xF7A  }
0x26: {  	[smem:$0x3FA0] =	sst s1;
	(tag) =	ssettag s2;
	_ =	strace s9  }
0x27: {  	s1 =	sld [smem:$0x3FB0]  }
0x28: {  	s2 =	sld [smem:$0x3FB1]  }
0x29: {  	s4 =	sld [smem:$0x3FB3]  }
0x2a: {  	p0 =	seq.s32 s5, $0x0;
	s5 =	sld [smem:$0x3FB4]  }
0x2b: {  	s6 =	sld [smem:$0x3FB5]  }
0x2c: {  	s7 =	sld [smem:$0x3FB6]  }
0x2d: {  	s3 =	simm.s32 $0x108;
	s8 =	sld [smem:$0x3FB7]  }
0x2e: {  	s3 =	simm.s32 @!p0 $0x1082;
	s9 =	sld [smem:$0x3FB8]  }
0x2f: {  	lr =	sadd.s32 s0, s3;
	s0 =	sld [smem:$0x3FAF]  }
0x30: {  	s3 =	sld [smem:$0x3FB2]  }
0x31: {  	[smem:$0x3FBB] =	sst s10  }
0x32: {  	s10 =	sld [smem:$0x3FB9];
	_ =	sdelay $0x3  }
0x33: {  	p0 =	seq.s32 s10, $0x1;
	s10 =	sld [smem:$0x3FBB];
	_ =	sdelay $0x3  }
0x34: {  	[smem:$0x3FBB] =	sst s10  }
0x35: {  	s10 =	sld [smem:$0x3FBA];
	_ =	sdelay $0x3  }
0x36: {  	p1 =	seq.s32 s10, $0x1;
	s10 =	sld [smem:$0x3FBB];
	_ =	sdelay $0x3  }
0x37: {  	[smem:$0x3FBB] =	sst s10  }
0x38: {  	s10 =	sld [smem:$0x3FBC]  }
0x39: {  	_ = 	snop;
	(pc) =	sbr.ind lr, $3  }
0x3a: {  	_ = 	snop  }
0x3b: {  	_ = 	snop  }
0x3c: {  	p2 =	seq.s32 s10, $0x1;
	s10 =	sld [smem:$0x3FBB]  }
0x3d: {  	_ =	shalt  }
0x3e: {  	_ =	shalt  }
0x3f: {  	_ =	shalt  }
0x40: {  	_ =	shalt  }
0x41: {  	_ =	shalt  }
0x42: {  	_ =	shalt  }
0x43: {  	_ =	shalt  }
0x44: {  	_ =	shalt  }
0x45: {  	_ =	shalt  }
0x46: {  	_ =	shalt  }
0x47: {  	_ =	shalt  }
0x48: {  	_ =	shalt  }
0x49: {  	_ =	shalt  }
0x4a: {  	_ =	shalt  }
0x4b: {  	_ =	shalt  }
0x4c: {  	_ =	shalt  }
0x4d: {  	_ =	shalt  }
0x4e: {  	_ =	shalt  }
0x4f: {  	_ =	shalt  }
0x50: {  	_ =	shalt  }
0x51: {  	_ =	shalt  }
0x52: {  	_ =	shalt  }
0x53: {  	_ =	shalt  }
0x54: {  	_ =	shalt  }
0x55: {  	_ =	shalt  }
0x56: {  	_ =	shalt  }
0x57: {  	_ =	shalt  }
0x58: {  	_ =	shalt  }
0x59: {  	_ =	shalt  }
0x5a: {  	_ =	shalt  }
0x5b: {  	_ =	shalt  }
0x5c: {  	_ =	shalt  }
0x5d: {  	_ =	shalt  }
0x5e: {  	_ =	shalt  }
0x5f: {  	_ =	shalt  }
0x60: {  	_ =	shalt  }
0x61: {  	_ =	shalt  }
0x62: {  	_ =	shalt  }
0x63: {  	_ =	shalt  }
0x64: {  	_ =	shalt  }
0x65: {  	_ =	shalt  }
0x66: {  	_ =	shalt  }
0x67: {  	_ =	shalt  }
0x68: {  	_ =	shalt  }
0x69: {  	_ =	shalt  }
0x6a: {  	_ =	shalt  }
0x6b: {  	_ =	shalt  }
0x6c: {  	_ =	shalt  }
0x6d: {  	_ =	shalt  }
0x6e: {  	_ =	shalt  }
0x6f: {  	_ =	shalt  }
0x70: {  	_ =	shalt  }
0x71: {  	_ =	shalt  }
0x72: {  	_ =	shalt  }
0x73: {  	_ =	shalt  }
0x74: {  	_ =	shalt  }
0x75: {  	_ =	shalt  }
0x76: {  	_ =	shalt  }
0x77: {  	_ =	shalt  }
0x78: {  	_ =	shalt  }
0x79: {  	_ =	shalt  }
0x7a: {  	_ =	shalt  }
0x7b: {  	_ =	shalt  }
0x7c: {  	_ =	shalt  }
0x7d: {  	_ =	shalt  }
0x7e: {  	_ =	shalt  }
0x7f: {  	_ =	shalt  }
0x80: {  	_ =	shalt  }
0x81: {  	_ =	shalt  }
0x82: {  	_ =	shalt  }
0x83: {  	_ =	shalt  }
0x84: {  	_ =	shalt  }
0x85: {  	_ =	shalt  }
0x86: {  	_ =	shalt  }
0x87: {  	_ =	shalt  }
.Lfunc_end0:
.L_simem_size_0:
called_computation_lowered:
.L_overlay_start_0:
0x88: {  	s2 =	sld [smem:$0x3FD9]  }
0x89: {  	s3 =	sld [smem:$0x3FFE];
	_ =	sdelay $0x1  }
0x8a: {  	s1 =	srdreg.scid  }
0x8b: {  	s0 =	sand.u32 $0x1, s1  }
0x8c: {  	s17 =	sshll.u32 s0, $0xA;
	s2 =	sadd.s32 s3, s2  }
0x8d: {  	s2 =	sadd.s32 s2, s17  }
0x8e: {  	[smem:$0x3FC7] =	sst s2  }
0x8f: {  	_ = 	snop  }
0x90: {  	s2 =	sld [smem:$0x3FC9];
	(tm) =	ssettm $0x1  }
0x91: {  	s18 =	sld [smem:$0x3FFB];
	_ =	sdelay $0x3  }
0x92: {  	_ =	strace s18  }
0x93: {  	s3 =	sld [smem:$0x3FFC];
	_ =	sdelay $0x3  }
0x94: {  	_ =	strace s3  }
0x95: {  	s3 =	sld [smem:$0x3FFD];
	_ =	sdelay $0x3  }
0x96: {  	_ =	strace s3  }
0x97: {  	_ =	strace $0x8FFFFFFF  }
0x98: {  	s19 =	sld [smem:$0x3FDB];
	_ =	sdelay $0x1  }
0x99: {  	s4 =	simm.s32 $_scs_section_size  }
0x9a: {  	s5 =	simm.s32 $_size__tile_overlayer_lowered;
	s6 =	simm.s32 $_tile_overlayer_lowered  }
0x9b: {  	s22 =	simm.s32 $0x1BFF;
	s21 =	sshll.u32 s6, $0x1;
	s3 =	sadd.s32 s4, s19  }
0x9c: {  	s7 =	simm.s32 $0x0;
	s20 =	sshll.u32 s5, $0x1;
	s5 =	sadd.s32 s21, s3  }
0x9d: {  	[timem:s7], [sflag:s22] =	dma.local [hbm:s5], s20  }
0x9e: {  	_ =	swait.ge [sflag:s22], s20  }
0x9f: {  	s4 =	ssub.s32 $0x0, s20;
	[sflag:s22] =	ssyncset.done $0x0  }
0xa0: {  	[sflag:s22] =	ssyncadd.s32 s4;
	_ =	sdelay $0x1  }
0xa1: {  	s23 =	simm.s32 $0x1B8B  }
0xa2: {  	_ =	swait.ge [sflag:s23], $0x1  }
0xa3: {  	[sflag:s23] =	ssyncset.done $0x0  }
0xa4: {  	s25 =	simm.s32 $0x1B8E;
	s24 =	sld [smem:$0x3FFE];
	[sflag:s23] =	ssyncadd.s32 $0xFFFFFFFF  }
0xa5: {  	s26 =	simm.s32 $execute0_lowered;
	[smem:$0x3FD2] =	sst s25  }
0xa6: {  	s5 =	sshll.u32 s26, $0x1;
	_ =	strace $0x80000046;
	[dreg:$0x1] =	wrdreg $0xFFFFFFFF  }
0xa7: {  	s28 =	simm.s32 $_size_execute0_lowered;
	s3 =	sadd.s32 s3, s5;
	[dreg:$0x0] =	wrdreg $0x0  }
0xa8: {  	s5 =	sshll.u32 s28, $0x1;
	[dreg:$0x2] =	wrdreg s3  }
0xa9: {  	[dreg:$0x3] =	wrdreg s5  }
0xaa: {  	[dreg:$0x4] =	wrdreg $0xC0  }
0xab: {  	_ =	task [dreg:s7], $0x5FFFF  }
0xac: {  	[dreg:$0x1] =	wrdreg $0xFFFFFFFF  }
0xad: {  	[dreg:$0x0] =	wrdreg $0x60  }
0xae: {  	[dreg:$0x2] =	wrdreg s2  }
0xaf: {  	[dreg:$0x3] =	wrdreg s24  }
0xb0: {  	[dreg:$0x4] =	wrdreg $0x9  }
0xb1: {  	_ =	task.clear_ibuf [dreg:s7], $0x5FFFF;
	_ =	strace $0x90000046  }
0xb2: {  	s29 =	simm.s32 $0x9;
	_ =	strace $0x80000048  }
0xb3: {  	_ =	swait.ge [sflag:s29], $0x1  }
0xb4: {  	[sflag:s29] =	ssyncadd.s32 $0xFFFFFFFF  }
0xb5: {  	_ =	strace $0x90000048  }
0xb6: {  	_ =	sfence  }
0xb7: {  	s30 =	sld [smem:$0x0];
	_ =	sdelay $0x2  }
0xb8: {  	s31 =	sshll.u32 s1, $0xD;
	s1 =	sshrl.u32 s1, $0x2  }
0xb9: {  	s3 =	sand.u32 $0x4000, s31;
	s1 =	sadd.s32 s1, s30  }
0xba: {  	s0 =	sor.u32 s3, s0;
	s1 =	sshll.u32 s1, $0x11  }
0xbb: {  	s0 =	sor.u32 s1, s0  }
0xbc: {  	s0 =	sadd.s32 $0x8F2B, s0  }
0xbd: {  	[sflag:s0] =	ssyncadd.remote.s32 $0x1  }
0xbe: {  	_ =	sfence.sel $0xFFFF  }
0xbf: {  	[dreg:$0x0] =	wrdreg $0xFFFFFFFF;
	(pc) =	sbr.abs _section_cstart, $3  }
0xc0: {  	[dreg:$0x1] =	wrdreg $0xFFFFFFFF  }
0xc1: {  	_ =	task.clear_ibuf [dreg:s7], $0x2FFFF;
	_ =	strace $0x9FFFFFFF  }
0xc2: {  	(tm) =	ssettm $0x7FFFFFFF  }
0xc3: {  	_ =	shalt  }
tec
execute0_lowered:
.L_overlay_start_1:
0x0: {  	(tag) =	ssettag $0x1  }
0x1: {  	s3 =	rddreg [dreg:$0x0]  }
0x2: {  	s4 =	rddreg [dreg:$0x1]  }
0x3: {  	s2 =	srdreg.scid;
	s1 =	stileid.u32  }
0x4: {  	s0 =	rddreg [dreg:$0x2];
	s9 =	simm.s32 $0x0;
	s5 =	sand.u32 $0x1, s2  }
0x5: {  	s30 =	sshll.u32 s1, $0x5;
	s6 =	sshll.u32 s1, $0xD;
	s2 =	simm.s32 $0x0  }
0x6: {  	s7 =	sshll.u32 s5, $0x4;
	s8 =	sand.u32 $0x60, s30;
	s6 =	sand.u32 $0x18000, s6  }
0x7: {  	[smem:$0x7FF] =	sst s2;
	s5 =	ssub.s32 $0x2, s5;
	s7 =	sor.u32 s7, s8  }
0x8: {  	_ =	strace $0x80000047;
	s31 =	sshrl.u32 s5, $0x1;
	s8 =	simm.s32 $0x1  }
0x9: {  	s6 =	sor.u32 s6, s7;
	s5 =	ssub.s32 s5, s31;
	s7 =	simm.s32 $0x400  }
0xa: {  	s3 =	sadd.s32 s6, s3;
	s4 =	sadd.s32 s6, s4;
	s5 =	smax.u32 s5, $0x1  }
0xb: {  	v0 =	vimm.s32 $0xF;
	v1 =	vimm.f32 $-2.000000000e+00;
	v2 =	vimm.f32 $0.0e+00;
	s6 =	simm.s32 $0x80;
	s3 =	sadd.s32 $0x60000, s3;
	s4 =	sadd.s32 $0x400, s4  }
.LBB2_1:
0xc: {  	[tilespmem:s2], [sflag:$0x1] =	stream.strided.gather [hbm4b:s3+s6], $0x8000, s7, s6, $0x38;
	[tilespmem:$0x9800] =	vst v63  }
0xd: {  	_ =	swait.ge [sflag:s8], $0x8000  }
0xe: {  	[sflag:s8] =	ssyncset.done $0x0  }
0xf: {  	s11 =	simm.s32 $0x40;
	[sflag:s8] =	ssyncadd.s32 $0xFFFF8000  }
0x10: {  	v4 =	vld [tilespmem:s11+$0xFFFFFFD0]  }
0x11: {  	v3 =	vimm.f32 $-1.000000020e+30;
	s12 =	simm.s32 $0x40;
	s10 =	simm.s32 $0x0;
	v5 =	vld [tilespmem:s11+$0xFFFFFFC0]  }
.LBB2_2:
0x12: {  	p0 =	sne.s32 s12, $0x3FC0;
	v6 =	vld [tilespmem:s11+$0xFFFFFFE0]  }
0x13: {  	v7 =	vld [tilespmem:s11+$0xFFFFFFF0]  }
0x14: {  	v8 =	vld [tilespmem:s11+$0x0]  }
0x15: {  	v9 =	vld [tilespmem:s11+$0x10]  }
0x16: {  	v4 =	vmax.f32 v5, v4;
	v5 =	vld [tilespmem:s11+$0x20]  }
0x17: {  	v4 =	vmax.f32 v4, v6;
	v6 =	vld [tilespmem:s11+$0x30]  }
0x18: {  	v4 =	vmax.f32 v4, v7  }
0x19: {  	v4 =	vmax.f32 v4, v8  }
0x1a: {  	v4 =	vmax.f32 v4, v9  }
.Ltmp0:
0x1b: {  	v4 =	vmax.f32 v4, v5;
	(pc) =	sbr.rel @p0 .LBB2_2-.Ltmp0, $4  }
0x1c: {  	s13 =	sshra.s32 s10, $0x2;
	s10 =	smov.u32 s12;
	v4 =	vmax.f32 v4, v6  }
0x1d: {  	s11 =	sadd.s32 $0x80, s11;
	[tilespmem:s13+$0x8000] =	vst v4;
	v3 =	vmax.f32 v3, v4  }
0x1e: {  	v4 =	vld [tilespmem:s11+$0xFFFFFFD0]  }
0x1f: {  	s12 =	sadd.s32 $0x40, s12;
	v5 =	vld [tilespmem:s11+$0xFFFFFFC0]  }
0x20: {  	v6 =	vld [tilespmem:s11+$0xFFFFFFE0]  }
0x21: {  	v7 =	vld [tilespmem:s11+$0xFFFFFFF0]  }
0x22: {  	v8 =	vld [tilespmem:s11+$0x0]  }
0x23: {  	v9 =	vld [tilespmem:s11+$0x10]  }
0x24: {  	v4 =	vmax.f32 v5, v4;
	v5 =	vld [tilespmem:s11+$0x20]  }
0x25: {  	v63 =	vld [tilespmem:s11+$0x30];
	v4 =	vmax.f32 v4, v6  }
0x26: {  	v4 =	vmax.f32 v4, v7  }
0x27: {  	v4 =	vmax.f32 v4, v8  }
0x28: {  	v4 =	vmax.f32 v4, v9  }
0x29: {  	v4 =	vmax.f32 v4, v5  }
0x2a: {  	v4 =	vmax.f32 v4, v63  }
0x2b: {  	v3 =	vmax.f32 v3, v4  }
0x2c: {  	(xrf0) =	vmax.scan.msk.f32 $0xffff, v3;
	_ =	sdelay $0x5  }
0x2d: {  	s10 =	sshra.s32 s10, $0x2;
	v3, _, _ =	vpop (xrf0)  }
0x2e: {  	s11 =	simm.s32 $0x0;
	[tilespmem:s10+$0x8000] =	vst v4;
	s10 =	simm.s32 $0x40;
	v3 =	vperm.xlane v3, v0  }
.LBB2_4:
0x2f: {  	p0 =	sne.s32 s10, $0x1FC0;
	[tilespmem:s11+$0x9000] =	vst v1;
	s11 =	smov.u32 s10;
	s10 =	sadd.s32 $0x40, s10  }
.Ltmp1:
0x30: {  	(pc) =	sbr.rel @p0 .LBB2_4-.Ltmp1, $2  }
0x31: {  	_ =	sdelay $0x2  }
0x32: {  	s11 =	sshra.s32 s11, $0x2  }
.Ltmp2:
0x33: {  	(pc) =	sbr.rel .LBB2_6-.Ltmp2, $2  }
0x34: {  	_ =	sdelay $0x2  }
0x35: {  	[tilespmem:s11+$0x9000] =	vst v1;
	v4 =	vadd.f32 $-1.000000000e+00, v3;
	s10 =	simm.s32 $0x0;
	s11 =	simm.s32 $0x40;
	s12 =	simm.s32 $0x0  }
.LBB2_8:
0x36: {  	s10 =	sadd.s32 $0x40, s10  }
0x37: {  	p0 =	sne.s32 s10, $0x4000  }
.Ltmp3:
0x38: {  	_ = 	snop;
	(pc) =	sbr.rel @!p0 .LBB2_9-.Ltmp3, $2  }
0x39: {  	_ =	sdelay $0x2  }
0x3a: {  	s11 =	sadd.s32 $0x80, s11  }
.LBB2_6:
0x3b: {  	s13 =	sshra.s32 s10, $0x2  }
0x3c: {  	v5 =	vld [tilespmem:s13+$0x8000];
	_ =	sdelay $0x4  }
0x3d: {  	vm0 =	vgt.f32 v5, v4  }
0x3e: {  	v5 =	vsel vm0, $0x3F800000, v2  }
0x3f: {  	(xrf0) =	vmax.scan.msk.f32 $0xffff, v5;
	_ =	sdelay $0x5  }
0x40: {  	v5, _, _ =	vpop (xrf0)  }
0x41: {  	(v2sf) =	vpush v5, $0xF;
	_ =	sdelay $0xe  }
0x42: {  	s31 =	spop (v2sf)  }
0x43: {  	p0 =	sgt.f32 s31, $0.0e+00  }
.Ltmp4:
0x44: {  	_ = 	snop;
	(pc) =	sbr.rel @!p0 .LBB2_8-.Ltmp4, $1  }
0x45: {  	_ =	sdelay $0x3  }
0x46: {  	v5 =	vld [tilespmem:s11+$0xFFFFFFC0];
	_ =	sdelay $0x4  }
0x47: {  	v5 =	vsub.f32 v5, v3;
	_ =	sdelay $0x1  }
0x48: {  	vm0 =	vgt.f32 v5, $-1.000000000e+00  }
0x49: {  	[tilespmem:s12+$0x9000] =	vst.msk vm0, v5;
	v5 =	vmpcnt.ones.xlane vm0  }
0x4a: {  	v6 =	vld [tilespmem:s11+$0xFFFFFFD0]  }
0x4b: {  	(v2sf) =	vpush v5, $0x0;
	_ =	sdelay $0x3  }
0x4c: {  	v5 =	vsub.f32 v6, v3;
	_ =	sdelay $0x1  }
0x4d: {  	vm9 =	vgt.f32 v5, $-1.000000000e+00  }
0x4e: {  	v6 =	vmpcnt.ones.xlane vm9;
	_ =	sdelay $0x1  }
0x4f: {  	(v2sf) =	vpush v6, $0x0;
	_ =	sdelay $0x5  }
0x50: {  	s13 =	spop (v2sf)  }
0x51: {  	s12 =	sadd.s32 s12, s13  }
0x52: {  	p0 =	slt.s32 s12, $0x7F0  }
0x53: {  	s12 =	simm.s32 @!p0 $0x7F0  }
0x54: {  	[tilespmem:s12+$0x9000] =	vst.msk vm9, v5  }
0x55: {  	v5 =	vld [tilespmem:s11+$0xFFFFFFE0];
	_ =	sdelay $0x3  }
0x56: {  	s24 =	spop (v2sf)  }
0x57: {  	s12 =	sadd.s32 s12, s24;
	v5 =	vsub.f32 v5, v3  }
0x58: {  	p0 =	slt.s32 s12, $0x7F0  }
0x59: {  	s12 =	simm.s32 @!p0 $0x7F0;
	vm10 =	vgt.f32 v5, $-1.000000000e+00  }
0x5a: {  	[tilespmem:s12+$0x9000] =	vst.msk vm10, v5;
	v5 =	vmpcnt.ones.xlane vm10  }
0x5b: {  	v6 =	vld [tilespmem:s11+$0xFFFFFFF0]  }
0x5c: {  	(v2sf) =	vpush v5, $0x0;
	_ =	sdelay $0x3  }
0x5d: {  	v5 =	vsub.f32 v6, v3;
	_ =	sdelay $0x1  }
0x5e: {  	vm11 =	vgt.f32 v5, $-1.000000000e+00  }
0x5f: {  	v6 =	vmpcnt.ones.xlane vm11;
	_ =	sdelay $0x1  }
0x60: {  	(v2sf) =	vpush v6, $0x0;
	_ =	sdelay $0x5  }
0x61: {  	s25 =	spop (v2sf)  }
0x62: {  	s12 =	sadd.s32 s12, s25  }
0x63: {  	p0 =	slt.s32 s12, $0x7F0  }
0x64: {  	s12 =	simm.s32 @!p0 $0x7F0  }
0x65: {  	[tilespmem:s12+$0x9000] =	vst.msk vm11, v5  }
0x66: {  	v5 =	vld [tilespmem:s11+$0x0];
	_ =	sdelay $0x3  }
0x67: {  	s26 =	spop (v2sf)  }
0x68: {  	s12 =	sadd.s32 s12, s26;
	v5 =	vsub.f32 v5, v3  }
0x69: {  	p0 =	slt.s32 s12, $0x7F0  }
0x6a: {  	s12 =	simm.s32 @!p0 $0x7F0;
	vm12 =	vgt.f32 v5, $-1.000000000e+00  }
0x6b: {  	[tilespmem:s12+$0x9000] =	vst.msk vm12, v5;
	v5 =	vmpcnt.ones.xlane vm12  }
0x6c: {  	v6 =	vld [tilespmem:s11+$0x10]  }
0x6d: {  	(v2sf) =	vpush v5, $0x0;
	_ =	sdelay $0x3  }
0x6e: {  	v5 =	vsub.f32 v6, v3;
	_ =	sdelay $0x1  }
0x6f: {  	vm13 =	vgt.f32 v5, $-1.000000000e+00  }
0x70: {  	v6 =	vmpcnt.ones.xlane vm13;
	_ =	sdelay $0x1  }
0x71: {  	(v2sf) =	vpush v6, $0x0;
	_ =	sdelay $0x5  }
0x72: {  	s28 =	spop (v2sf)  }
0x73: {  	s12 =	sadd.s32 s12, s28  }
0x74: {  	p0 =	slt.s32 s12, $0x7F0  }
0x75: {  	s12 =	simm.s32 @!p0 $0x7F0  }
0x76: {  	[tilespmem:s12+$0x9000] =	vst.msk vm13, v5  }
0x77: {  	v5 =	vld [tilespmem:s11+$0x20];
	_ =	sdelay $0x3  }
0x78: {  	s29 =	spop (v2sf)  }
0x79: {  	s12 =	sadd.s32 s12, s29;
	v5 =	vsub.f32 v5, v3  }
0x7a: {  	p0 =	slt.s32 s12, $0x7F0  }
0x7b: {  	s12 =	simm.s32 @!p0 $0x7F0;
	vm14 =	vgt.f32 v5, $-1.000000000e+00  }
0x7c: {  	[tilespmem:s12+$0x9000] =	vst.msk vm14, v5  }
0x7d: {  	v5 =	vld [tilespmem:s11+$0x30];
	_ =	sdelay $0x4  }
0x7e: {  	v6 =	vmpcnt.ones.xlane vm14;
	v5 =	vsub.f32 v5, v3;
	_ =	sdelay $0x1  }
0x7f: {  	(v2sf) =	vpush v6, $0x0;
	vm15 =	vgt.f32 v5, $-1.000000000e+00  }
0x80: {  	v6 =	vmpcnt.ones.xlane vm15;
	_ =	sdelay $0x1  }
0x81: {  	(v2sf) =	vpush v6, $0x0;
	_ =	sdelay $0xb  }
0x82: {  	s30 =	spop (v2sf)  }
0x83: {  	s13 =	sadd.s32 s12, s30  }
.Ltmp5:
0x84: {  	p0 =	slt.s32 s13, $0x7F0;
	(pc) =	sbr.rel .LBB2_8-.Ltmp5, $4  }
0x85: {  	s13 =	simm.s32 @!p0 $0x7F0;
	s31 =	spop (v2sf)  }
0x86: {  	s12 =	sadd.s32 s13, s31  }
0x87: {  	p0 =	slt.s32 s12, $0x7F0  }
0x88: {  	[tilespmem:s13+$0x9000] =	vst.msk vm15, v5;
	s12 =	simm.s32 @!p0 $0x7F0  }
.LBB2_9:
0x89: {  	s10 =	sadd.s32 $0xF, s12  }
0x8a: {  	s11 =	sand.u32 $0xF, s10  }
0x8b: {  	p0 =	slt.s32 s12, $0xFFFFFFF2;
	s30 =	sshra.s32 s10, $0x1F;
	p1 =	sne.s32 s11, $0x0  }
.Ltmp6:
0x8c: {  	s31 =	sshrl.u32 s30, $0x1C;
	p0 =	por !p0, !p1;
	(pc) =	sbr.rel .LBB2_10-.Ltmp6, $4  }
0x8d: {  	s11 =	simm.s32 $0x1;
	s10 =	sadd.s32 s31, s10;
	p0 =	por !p0, !p0  }
0x8e: {  	s10 =	sshra.s32 s10, $0x4;
	s11 =	simm.s32 @!p0 $0x0  }
0x8f: {  	s10 =	ssub.s32 s10, s11  }
0x90: {  	v4 =	vimm.f32 $-1.000000000e+00;
	s11 =	simm.s32 $0x0;
	p0 =	slt.s32 s10, $0x1  }
.LBB2_11:
0x91: {  	v4 =	vimm.f32 $0.0e+00  }
.LBB2_15:
0x92: {  	(xrf2) =	vadd.scan.msk.f32 $0xffff, v5  }
0x93: {  	(xrf2) =	vadd.scan.msk.f32 $0xffff, v4;
	_ =	sdelay $0x8  }
0x94: {  	v4, _, _ =	vpop (xrf2)  }
0x95: {  	v5, _, _ =	vpop (xrf2)  }
0x96: {  	v5 =	vperm.xlane v5, v0;
	_ =	sdelay $0x1  }
0x97: {  	(erf) = vrcp.f32 v5;
	_ =	sdelay $0x3  }
0x98: {  	s11 =	sadd.s32 $0x1, s11  }
0x99: {  	p1 =	sne.s32 s11, $0xA  }
.Ltmp7:
0x9a: {  	v4 =	vperm.xlane v4, v0;
	(pc) =	sbr.rel @!p1 .LBB2_16-.Ltmp7, $4  }
0x9b: {  	_ = 	snop  }
0x9c: {  	v4 =	vadd.f32 $-1.000000000e+00, v4  }
0x9d: {  	v5 =	vpop (erf)  }
0x9e: {  	v4 =	vmul.f32 v5, v4  }
.LBB2_10:
.Ltmp8:
0x9f: {  	(pc) =	sbr.rel @p0 .LBB2_11-.Ltmp8, $2  }
0xa0: {  	_ =	sdelay $0x2  }
0xa1: {  	v5 =	vimm.f32 $0.0e+00;
	s13 =	simm.s32 $0x9000  }
0xa2: {  	v6 =	vld [tilespmem:s13+$0x0];
	p1 =	sne.s32 s10, $0x1  }
.Ltmp9:
0xa3: {  	_ = 	snop;
	(pc) =	sbr.rel @!p1 .LBB2_14-.Ltmp9, $2  }
0xa4: {  	_ =	sdelay $0x2  }
0xa5: {  	s12 =	sadd.s32 $0xFFFFFFFF, s10;
	s13 =	sadd.s32 $0x10, s13;
	v7 =	vimm.f32 $0.0e+00;
	vm0 =	vgt.f32 v6, v4  }
.LBB2_13:
0xa6: {  	p1 =	sne.s32 s12, $0x1;
	s12 =	sadd.s32 $0xFFFFFFFF, s12;
	v8 =	vnsel vm0, $0x0, v6;
	v6 =	vld [tilespmem:s13+$0x0];
	v9 =	vsel vm0, $0x3F800000, v2  }
.Ltmp10:
0xa7: {  	v5 =	vadd.f32 v8, v5;
	v7 =	vadd.f32 v9, v7;
	(pc) =	sbr.rel @p1 .LBB2_13-.Ltmp10, $2  }
0xa8: {  	_ =	sdelay $0x2  }
0xa9: {  	s13 =	sadd.s32 $0x10, s13;
	vm0 =	vgt.f32 v6, v4  }
.LBB2_14:
.Ltmp11:
0xaa: {  	(pc) =	sbr.rel .LBB2_15-.Ltmp11, $4  }
0xab: {  	_ = 	snop  }
0xac: {  	v4 =	vnsel vm0, $0x0, v6  }
0xad: {  	v6 =	vsel vm0, $0x3F800000, v2;
	v5 =	vadd.f32 v4, v5  }
0xae: {  	v4 =	vadd.f32 v6, v7  }
.LBB2_16:
0xaf: {  	s10 =	simm.s32 $0x0  }
0xb0: {  	v5 =	vld [tilespmem:s10+$0x0]  }
0xb1: {  	v9 =	vld [tilespmem:s10+$0x10]  }
0xb2: {  	v8 =	vld [tilespmem:s10+$0x20]  }
0xb3: {  	v7 =	vld [tilespmem:s10+$0x30];
	v3 =	vadd.f32 v4, v3  }
0xb4: {  	v6 =	vld [tilespmem:s10+$0x40]  }
0xb5: {  	v4 =	vld [tilespmem:s10+$0x50];
	v10 =	vsub.f32 v5, v3  }
0xb6: {  	s11 =	simm.s32 $0x200;
	v9 =	vsub.f32 v9, v3;
	v5 =	vld [tilespmem:s10+$0x60]  }
.LBB2_17:
0xb7: {  	p0 =	sne.s32 s11, $0x1FE00;
	v10 =	vmax.f32 v10, $0.0e+00;
	v8 =	vsub.f32 v8, v3;
	v11 =	vld [tilespmem:s10+$0x70]  }
0xb8: {  	s12 =	sshra.s32 s11, $0x2;
	[tilespmem:s10+$0x0] =	vst v10;
	v9 =	vmax.f32 v9, $0.0e+00;
	v7 =	vsub.f32 v7, v3  }
0xb9: {  	v10 =	vld [tilespmem:s12+$0x0];
	[tilespmem:s10+$0x10] =	vst v9;
	v8 =	vmax.f32 v8, $0.0e+00;
	v6 =	vsub.f32 v6, v3  }
0xba: {  	v9 =	vld [tilespmem:s12+$0x10];
	[tilespmem:s10+$0x20] =	vst v8;
	v7 =	vmax.f32 v7, $0.0e+00;
	v4 =	vsub.f32 v4, v3  }
.Ltmp12:
0xbb: {  	v8 =	vld [tilespmem:s12+$0x20];
	[tilespmem:s10+$0x30] =	vst v7;
	v6 =	vmax.f32 v6, $0.0e+00;
	v5 =	vsub.f32 v5, v3;
	(pc) =	sbr.rel @p0 .LBB2_17-.Ltmp12, $4  }
0xbc: {  	v7 =	vld [tilespmem:s12+$0x30];
	[tilespmem:s10+$0x40] =	vst v6;
	v4 =	vmax.f32 v4, $0.0e+00;
	v11 =	vsub.f32 v11, v3  }
0xbd: {  	v6 =	vld [tilespmem:s12+$0x40];
	[tilespmem:s10+$0x50] =	vst v4;
	v5 =	vmax.f32 v5, $0.0e+00  }
0xbe: {  	v10 =	vsub.f32 v10, v3;
	v4 =	vld [tilespmem:s12+$0x50];
	[tilespmem:s10+$0x60] =	vst v5;
	v11 =	vmax.f32 v11, $0.0e+00  }
0xbf: {  	s11 =	sadd.s32 $0x200, s11;
	v9 =	vsub.f32 v9, v3;
	v5 =	vld [tilespmem:s12+$0x60];
	[tilespmem:s10+$0x70] =	vst v11;
	s10 =	smov.u32 s12  }
0xc0: {  	v10 =	vmax.f32 v10, $0.0e+00;
	v8 =	vsub.f32 v8, v3;
	v11 =	vld [tilespmem:s10+$0x70]  }
0xc1: {  	[tilespmem:s10+$0x0] =	vst v10;
	v9 =	vmax.f32 v9, $0.0e+00;
	v7 =	vsub.f32 v7, v3  }
0xc2: {  	[tilespmem:s10+$0x10] =	vst v9;
	v8 =	vmax.f32 v8, $0.0e+00;
	v6 =	vsub.f32 v6, v3  }
0xc3: {  	[tilespmem:s10+$0x20] =	vst v8;
	v7 =	vmax.f32 v7, $0.0e+00;
	v4 =	vsub.f32 v4, v3  }
0xc4: {  	[tilespmem:s10+$0x30] =	vst v7;
	v6 =	vmax.f32 v6, $0.0e+00;
	v5 =	vsub.f32 v5, v3  }
0xc5: {  	[tilespmem:s10+$0x40] =	vst v6;
	v4 =	vmax.f32 v4, $0.0e+00;
	v3 =	vsub.f32 v11, v3  }
0xc6: {  	s9 =	sadd.s32 $0x1, s9;
	[tilespmem:s10+$0x50] =	vst v4;
	v63 =	vmax.f32 v5, $0.0e+00  }
0xc7: {  	p0 =	sne.s32 s9, s5;
	[tilespmem:s10+$0x60] =	vst v63;
	v3 =	vmax.f32 v3, $0.0e+00  }
.Ltmp13:
0xc8: {  	[tilespmem:s10+$0x70] =	vst v3;
	(pc) =	sbr.rel @p0 .LBB2_1-.Ltmp13, $4  }
0xc9: {  	[hbm4b:s4+s6] =	stream.strided.scatter [tilespmem:s2], [sflag:$0x1], $0x8000, s7, s6, $0x38;
	[tilespmem:$0x9800] =	vst v63  }
0xca: {  	_ =	swait.ge [sflag:s8], $0x8000  }
0xcb: {  	[sflag:s8] =	ssyncset.done $0x0  }
0xcc: {  	[sflag:s8] =	ssyncadd.s32 $0xFFFF8000  }
0xcd: {  	_ =	sfence.sel $0x180000  }
0xce: {  	[bflag:$0x0] =	sbarrier.arrive $0xFFFF  }
0xcf: {  	p0 =	sne.s32 s1, $0x0;
	_ =	strace $0x90000047  }
0xd0: {  	s0 =	sadd.s32 @!p0 $0x100000, s0;
	[bflag:$0x2] =	sbarrier.arrive $0xFFFF  }
0xd1: {  	[sflag:s0] =	ssyncadd.tile.s32 @!p0 $0x1;
	_ =	shalt  }
.Lfunc_end2:
_tile_overlayer_lowered:
.L_overlay_start_2:
0xd2: {  	(tag) =	ssettag $0x2  }
0xd3: {  	s0 =	rddreg [dreg:$0x0];
	s2 =	stileid.u32  }
0xd4: {  	s1 =	rddreg [dreg:$0x1];
	p0 =	sne.s32 s2, $0x0  }
0xd5: {  	s3 =	rddreg [dreg:$0x2];
	[bflag:$0x3] =	sbarrier.arrive $0xFFFF;
	s2 =	simm.s32 @!p0 $0x1C01  }
0xd6: {  	[timem:s3], [sflag:s2] =	dma.local @!p0 [hbm:s0], s1  }
0xd7: {  	s0 =	simm.s32 @!p0 $0x1  }
0xd8: {  	_ =	swait.ge @!p0 [sflag:s0], s1  }
0xd9: {  	s1 =	ssub.s32 @!p0 $0x0, s1;
	[sflag:s0] =	ssyncset.done @!p0 $0x0  }
0xda: {  	[sflag:s0] =	ssyncadd.s32 @!p0 s1  }
0xdb: {  	[bflag:$0x3] =	sbarrier.arrive $0xFFFF  }
0xdc: {  	_ =	shalt  }

</sc_bundles>
